<compile_context>
chip_gen: v7x
topology: tpu7x:2x2x1
jax: 0.10.2.dev20260603
libtpu: 0.0.44.dev20260713+nightly
codegen_flags: <defaults>
</compile_context>

<pallas_src>
import functools

import jax
import jax.numpy as jnp
from jax import lax
from jax.experimental import pallas as pl
from jax.experimental.pallas import tpu as pltpu
from jax.experimental.pallas import tpu_sc as plsc

N_NODES = 10000
D = 128
NC = 2
NS = 16
CHUNK = 128
NLOC = 5120
NACC = 5248
ROWS_PER_TILE = NACC // NS


def _sc_body(with_cnt, y_hbm, src_hbm, dst_hbm, *refs):
    if with_cnt:
        (acc_out, cnt_out, src_v, dst_v, rows_a, rows_b, cnt_v,
         sem_a, sem_b, shared_acc) = refs
    else:
        (acc_out, src_v, dst_v, rows_a, rows_b,
         sem_a, sem_b, shared_acc) = refs
        cnt_out = cnt_v = None

    cid = lax.axis_index("c")
    sid = lax.axis_index("s")

    zeros16 = jnp.zeros((16,), jnp.float32)
    ones16 = jnp.ones((16,), jnp.float32)

    def fill(i, _):
        for c in range(D // 16):
            rows_a[i, pl.ds(c * 16, 16)] = zeros16
        return 0

    lax.fori_loop(0, CHUNK, fill, 0)

    if with_cnt:
        def fillc(i, _):
            cnt_v[pl.ds(i * 16, 16)] = zeros16
            return 0

        lax.fori_loop(0, NACC // 16, fillc, 0)

    base = sid * ROWS_PER_TILE
    rem = ROWS_PER_TILE
    off = 0
    while rem > 0:
        blk = min(CHUNK, rem)
        pltpu.sync_copy(rows_a.at[pl.ds(0, blk)],
                        shared_acc.at[pl.ds(base + off, blk)])
        off += blk
        rem -= blk
    plsc.subcore_barrier()

    pltpu.sync_copy(src_hbm.at[sid], src_v)
    pltpu.sync_copy(dst_hbm.at[sid], dst_v)

    steps = src_v.shape[0]
    lo = cid * NLOC

    def fixdst(j, _):
        for c in range(CHUNK // 16):
            d = dst_v[j, pl.ds(c * 16, 16)] - lo
            ok = (d >= 0) & (d < NLOC)
            dst_v[j, pl.ds(c * 16, 16)] = jnp.where(
                ok, d, NLOC + (d & (CHUNK - 1)))
        return 0

    lax.fori_loop(0, steps, fixdst, 0)

    def scat(j, rows):
        pltpu.sync_copy(rows, shared_acc.at[dst_v.at[j]], add=True)
        if with_cnt:
            for c in range(CHUNK // 16):
                idx = dst_v[j, pl.ds(c * 16, 16)]
                plsc.addupdate_scatter(cnt_v, [idx], ones16)

    def two(jj, _):
        j0 = 2 * jj
        j1 = j0 + 1
        ca = pltpu.async_copy(y_hbm.at[src_v.at[j0]], rows_a, sem_a)
        cb = pltpu.async_copy(y_hbm.at[src_v.at[j1]], rows_b, sem_b)
        ca.wait()
        scat(j0, rows_a)
        cb.wait()
        scat(j1, rows_b)
        return 0

    lax.fori_loop(0, steps // 2, two, 0)

    if steps % 2:
        j = steps - 1
        pltpu.async_copy(y_hbm.at[src_v.at[j]], rows_a, sem_a).wait()
        scat(j, rows_a)

    plsc.subcore_barrier()

    pltpu.sync_copy(shared_acc.at[pl.ds(base, ROWS_PER_TILE)],
                    acc_out.at[cid, pl.ds(base, ROWS_PER_TILE)])
    if with_cnt:
        pltpu.sync_copy(cnt_v, cnt_out.at[cid, sid])


def _make_sc_aggregate(steps_per_tile, with_cnt):
    acc_t = jax.ShapeDtypeStruct((NC, NACC, D), jnp.float32)
    if with_cnt:
        out_type = (acc_t, jax.ShapeDtypeStruct((NC, NS, NACC), jnp.float32))
    else:
        out_type = acc_t
    scratch = [
        pltpu.VMEM((steps_per_tile, CHUNK), jnp.int32),
        pltpu.VMEM((steps_per_tile, CHUNK), jnp.int32),
        pltpu.VMEM((CHUNK, D), jnp.float32),
        pltpu.VMEM((CHUNK, D), jnp.float32),
    ]
    if with_cnt:
        scratch.append(pltpu.VMEM((NACC,), jnp.float32))
    scratch += [
        pltpu.SemaphoreType.DMA,
        pltpu.SemaphoreType.DMA,
        pltpu.VMEM_SHARED((NACC, D), jnp.float32),
    ]
    mesh = plsc.VectorSubcoreMesh(core_axis_name="c", subcore_axis_name="s")
    return pl.kernel(
        functools.partial(_sc_body, with_cnt),
        out_type=out_type,
        mesh=mesh,
        scratch_types=scratch,
        compiler_params=pltpu.CompilerParams(needs_layout_passes=False),
    )



ROW_BLK = 1000


def _mm2_body(x_ref, wl_ref, wr_ref, y_ref, z_ref):
    xb = x_ref[...]
    dn = (((1,), (1,)), ((), ()))
    y_ref[...] = lax.dot_general(xb, wl_ref[...], dn,
                                 preferred_element_type=jnp.float32)
    z_ref[...] = lax.dot_general(xb, wr_ref[...], dn,
                                 preferred_element_type=jnp.float32)


def _tc_mm2(x, Wl, Wr):
    n = x.shape[0]
    grid = (n // ROW_BLK,)
    bs_row = pl.BlockSpec((ROW_BLK, D), lambda i: (i, 0))
    bs_w = pl.BlockSpec((D, D), lambda i: (0, 0))
    return pl.pallas_call(
        _mm2_body,
        grid=grid,
        in_specs=[bs_row, bs_w, bs_w],
        out_specs=[bs_row, bs_row],
        out_shape=[jax.ShapeDtypeStruct((n, D), jnp.float32)] * 2,
    )(x, Wl, Wr)


def _cnt_body(p_ref, o_ref):
    o_ref[...] = jnp.sum(p_ref[...], axis=1)


def _tc_cnt(parts):
    return pl.pallas_call(
        _cnt_body,
        out_shape=jax.ShapeDtypeStruct((NC, NACC), jnp.float32),
    )(parts)


def _mid_body(a_ref, c_ref, z_ref, bl_ref, wl_ref, wr_ref, y2_ref, z2_ref):
    cnt = c_ref[...]
    inv = 1.0 / jnp.maximum(cnt, 1.0)
    h = jnp.maximum(a_ref[...] * inv + bl_ref[...] + z_ref[...], 0.0)
    dn = (((1,), (1,)), ((), ()))
    y2_ref[...] = lax.dot_general(h, wl_ref[...], dn,
                                  preferred_element_type=jnp.float32)
    z2_ref[...] = lax.dot_general(h, wr_ref[...], dn,
                                  preferred_element_type=jnp.float32)


def _tc_mid(agg, cnt, z1, bl1, Wl2, Wr2):
    n = z1.shape[0]
    grid = (n // ROW_BLK,)
    bs_row = pl.BlockSpec((ROW_BLK, D), lambda i: (i, 0))
    bs_cnt = pl.BlockSpec((ROW_BLK, 1), lambda i: (i, 0))
    bs_w = pl.BlockSpec((D, D), lambda i: (0, 0))
    bs_b = pl.BlockSpec((1, D), lambda i: (0, 0))
    return pl.pallas_call(
        _mid_body,
        grid=grid,
        in_specs=[bs_row, bs_cnt, bs_row, bs_b, bs_w, bs_w],
        out_specs=[bs_row, bs_row],
        out_shape=[jax.ShapeDtypeStruct((n, D), jnp.float32)] * 2,
    )(agg, cnt, z1, bl1, Wl2, Wr2)


def _fin_body(a_ref, c_ref, z_ref, bl_ref, out_ref):
    cnt = c_ref[...]
    inv = 1.0 / jnp.maximum(cnt, 1.0)
    out_ref[...] = a_ref[...] * inv + bl_ref[...] + z_ref[...]


def _tc_fin(agg, cnt, z2, bl2):
    n = z2.shape[0]
    grid = (n // ROW_BLK,)
    bs_row = pl.BlockSpec((ROW_BLK, D), lambda i: (i, 0))
    bs_cnt = pl.BlockSpec((ROW_BLK, 1), lambda i: (i, 0))
    bs_b = pl.BlockSpec((1, D), lambda i: (0, 0))
    return pl.pallas_call(
        _fin_body,
        grid=grid,
        in_specs=[bs_row, bs_cnt, bs_row, bs_b],
        out_specs=bs_row,
        out_shape=jax.ShapeDtypeStruct((n, D), jnp.float32),
    )(agg, cnt, z2, bl2)


def _assemble(parts, n):
    return jnp.concatenate([parts[0, :NLOC], parts[1, :n - NLOC]], axis=0)


def kernel(x, edge_index, Wl1, bl1, Wr1, Wl2, bl2, Wr2):
    n, d = x.shape
    e = edge_index.shape[1]
    src = edge_index[0].astype(jnp.int32)
    dst = edge_index[1].astype(jnp.int32)

    steps = -(-e // (NS * CHUNK))
    e_pad = steps * NS * CHUNK
    src_p = jnp.concatenate(
        [src, jnp.zeros((e_pad - e,), jnp.int32)]).reshape(NS, steps, CHUNK)
    dst_p = jnp.concatenate(
        [dst, jnp.full((e_pad - e,), n, jnp.int32)]).reshape(NS, steps, CHUNK)

    sc_agg_cnt = _make_sc_aggregate(steps, with_cnt=True)
    sc_agg = _make_sc_aggregate(steps, with_cnt=False)

    y1, z1 = _tc_mm2(x, Wl1, Wr1)
    acc1, cnt_parts = sc_agg_cnt(y1, src_p, dst_p)
    agg1 = _assemble(acc1, n)
    cnt_red = _tc_cnt(cnt_parts)
    cnt = jnp.concatenate([cnt_red[0, :NLOC], cnt_red[1, :n - NLOC]])[:, None]
    y2, z2 = _tc_mid(agg1, cnt, z1, bl1.reshape(1, D), Wl2, Wr2)
    acc2 = sc_agg(y2, src_p, dst_p)
    agg2 = _assemble(acc2, n)
    out = _tc_fin(agg2, cnt, z2, bl2.reshape(1, D))
    return out

# --- scband reference (transcript-rebuilt; emitter-appended) ---
"""Pipeline reference for scband-graph-sage-69793218560134 (READ-ONLY COPY).

The authoritative reference and input builder live on the scoring server;
editing this copy changes nothing except your own understanding.
"""

import jax, jax.numpy as jnp
import numpy as np

N_NODES = 10000
N_EDGES = 320000
D_IN = 128
D_HID = 128
D_OUT = 128


def setup_inputs(seed: int = 0) -> dict:
    key = jax.random.key(seed)
    ks = jax.random.split(key, 9)
    x = jax.random.normal(ks[0], (N_NODES, D_IN), dtype=jnp.float32)
    edge_index = jax.random.randint(ks[1], (2, N_EDGES), 0, N_NODES, dtype=jnp.int64 if jax.config.jax_enable_x64 else jnp.int32)
    # SAGEConv layer 1 params (lin_l acts on aggregated neighbors w/ bias, lin_r on root)
    s1 = 1.0 / np.sqrt(D_IN)
    Wl1 = jax.random.uniform(ks[2], (D_HID, D_IN), minval=-s1, maxval=s1, dtype=jnp.float32)
    bl1 = jax.random.uniform(ks[3], (D_HID,), minval=-s1, maxval=s1, dtype=jnp.float32)
    Wr1 = jax.random.uniform(ks[4], (D_HID, D_IN), minval=-s1, maxval=s1, dtype=jnp.float32)
    # SAGEConv layer 2 params
    s2 = 1.0 / np.sqrt(D_HID)
    Wl2 = jax.random.uniform(ks[5], (D_OUT, D_HID), minval=-s2, maxval=s2, dtype=jnp.float32)
    bl2 = jax.random.uniform(ks[6], (D_OUT,), minval=-s2, maxval=s2, dtype=jnp.float32)
    Wr2 = jax.random.uniform(ks[7], (D_OUT, D_HID), minval=-s2, maxval=s2, dtype=jnp.float32)
    return {"x": x, "edge_index": edge_index, "Wl1": Wl1, "bl1": bl1, "Wr1": Wr1,
            "Wl2": Wl2, "bl2": bl2, "Wr2": Wr2}


def _sage_conv(x, edge_index, Wl, bl, Wr):
    # mean aggregation of neighbor (src) features onto dst nodes
    src = edge_index[0]
    dst = edge_index[1]
    msg = jnp.take(x, src, axis=0)                      # gather [E, d]
    agg = jax.ops.segment_sum(msg, dst, num_segments=N_NODES)  # scatter-add
    cnt = jax.ops.segment_sum(jnp.ones((msg.shape[0],), dtype=x.dtype), dst, num_segments=N_NODES)
    mean = agg / jnp.clip(cnt, 1.0, None)[:, None]
    return mean @ Wl.T + bl + x @ Wr.T


def reference(x, edge_index, Wl1, bl1, Wr1, Wl2, bl2, Wr2):
    h = _sage_conv(x, edge_index, Wl1, bl1, Wr1)
    h = jax.nn.relu(h)
    # dropout p=0.0 (eval): identity
    out = _sage_conv(h, edge_index, Wl2, bl2, Wr2)
    return out

if __name__ == "__main__":
    import jax
    _d = setup_inputs()
    print(jax.jit(kernel)(*tuple(_d.values())))

</pallas_src>

<mosaic_0001>
#map = affine_map<(d0, d1) -> (0, 0)>
#map1 = affine_map<(d0, d1) -> (0, 0, 0)>
module attributes {stable_mosaic.version = 14 : i64} {
  func.func @_sc_body(%arg0: i32, %arg1: i32, %arg2: memref<10000x128xf32, #tpu.memory_space<hbm>>, %arg3: memref<16x157x128xi32, #tpu.memory_space<hbm>>, %arg4: memref<16x157x128xi32, #tpu.memory_space<hbm>>, %arg5: memref<2x5248x128xf32, #tpu.memory_space<hbm>>, %arg6: memref<2x16x5248xf32, #tpu.memory_space<hbm>>, %arg7: memref<157x128xi32, #tpu.memory_space<vmem>>, %arg8: memref<157x128xi32, #tpu.memory_space<vmem>>, %arg9: memref<128x128xf32, #tpu.memory_space<vmem>>, %arg10: memref<128x128xf32, #tpu.memory_space<vmem>>, %arg11: memref<5248xf32, #tpu.memory_space<vmem>>, %arg12: memref<!tpu.dma_semaphore, #tpu.memory_space<semaphore_mem>>, %arg13: memref<!tpu.dma_semaphore, #tpu.memory_space<semaphore_mem>>, %arg14: memref<5248x128xf32, #tpu.memory_space<vmem_shared>>) attributes {dimension_semantics = [#tpu.dimension_semantics<core_parallel>, #tpu.dimension_semantics<subcore_parallel>], iteration_bounds = array<i64: 2, 16>, scalar_prefetch = 0 : i64, scratch_operands = 8 : i64, tpu.core_type = #tpu.core_type<sc_vector_subcore>, window_params = [{transform_indices = #map}, {transform_indices = #map1}, {transform_indices = #map1}, {transform_indices = #map1}, {transform_indices = #map1}]} {
    %broadcast_in_dim3A = arith.constant 0.000000e+00 : f32
    %broadcast_in_dim3A_0 = vector.broadcast %broadcast_in_dim3A : f32 to vector<16xf32>
    %broadcast_in_dim3A_1 = arith.constant 1.000000e+00 : f32
    %broadcast_in_dim3A_2 = vector.broadcast %broadcast_in_dim3A_1 : f32 to vector<16xf32>
    %scan3A = arith.constant 0 : i32
    %scan3A_3 = arith.constant 0 : i32
    %scan3A_4 = arith.constant 128 : i32
    %scan3A_5 = arith.addi %scan3A_3, %scan3A_4 : i32
    %scan3A_6 = arith.constant 1 : i32
    %scan3A_7 = scf.for %scan3A_82 = %scan3A_3 to %scan3A_5 step %scan3A_6 iter_args(%scan3A_83 = %scan3A) -> (i32)  : i32 {
      %swap3A = arith.index_cast %scan3A_82 : i32 to index
      %swap3A_84 = arith.constant 0 : index
      %swap3A_85 = tpu.vector_load %arg9[%swap3A, %swap3A_84] {strides = array<i32>} : memref<128x128xf32, #tpu.memory_space<vmem>>, vector<16xf32>,
      tpu.vector_store %arg9[%swap3A, %swap3A_84], %broadcast_in_dim3A_0 {strides = array<i32>} : memref<128x128xf32, #tpu.memory_space<vmem>>, vector<16xf32>,
      %swap3A_86 = arith.index_cast %scan3A_82 : i32 to index
      %swap3A_87 = arith.constant 16 : index
      %swap3A_88 = tpu.vector_load %arg9[%swap3A_86, %swap3A_87] {strides = array<i32>} : memref<128x128xf32, #tpu.memory_space<vmem>>, vector<16xf32>,
      tpu.vector_store %arg9[%swap3A_86, %swap3A_87], %broadcast_in_dim3A_0 {strides = array<i32>} : memref<128x128xf32, #tpu.memory_space<vmem>>, vector<16xf32>,
      %swap3A_89 = arith.index_cast %scan3A_82 : i32 to index
      %swap3A_90 = arith.constant 32 : index
      %swap3A_91 = tpu.vector_load %arg9[%swap3A_89, %swap3A_90] {strides = array<i32>} : memref<128x128xf32, #tpu.memory_space<vmem>>, vector<16xf32>,
      tpu.vector_store %arg9[%swap3A_89, %swap3A_90], %broadcast_in_dim3A_0 {strides = array<i32>} : memref<128x128xf32, #tpu.memory_space<vmem>>, vector<16xf32>,
      %swap3A_92 = arith.index_cast %scan3A_82 : i32 to index
      %swap3A_93 = arith.constant 48 : index
      %swap3A_94 = tpu.vector_load %arg9[%swap3A_92, %swap3A_93] {strides = array<i32>} : memref<128x128xf32, #tpu.memory_space<vmem>>, vector<16xf32>,
      tpu.vector_store %arg9[%swap3A_92, %swap3A_93], %broadcast_in_dim3A_0 {strides = array<i32>} : memref<128x128xf32, #tpu.memory_space<vmem>>, vector<16xf32>,
      %swap3A_95 = arith.index_cast %scan3A_82 : i32 to index
      %swap3A_96 = arith.constant 64 : index
      %swap3A_97 = tpu.vector_load %arg9[%swap3A_95, %swap3A_96] {strides = array<i32>} : memref<128x128xf32, #tpu.memory_space<vmem>>, vector<16xf32>,
      tpu.vector_store %arg9[%swap3A_95, %swap3A_96], %broadcast_in_dim3A_0 {strides = array<i32>} : memref<128x128xf32, #tpu.memory_space<vmem>>, vector<16xf32>,
      %swap3A_98 = arith.index_cast %scan3A_82 : i32 to index
      %swap3A_99 = arith.constant 80 : index
      %swap3A_100 = tpu.vector_load %arg9[%swap3A_98, %swap3A_99] {strides = array<i32>} : memref<128x128xf32, #tpu.memory_space<vmem>>, vector<16xf32>,
      tpu.vector_store %arg9[%swap3A_98, %swap3A_99], %broadcast_in_dim3A_0 {strides = array<i32>} : memref<128x128xf32, #tpu.memory_space<vmem>>, vector<16xf32>,
      %swap3A_101 = arith.index_cast %scan3A_82 : i32 to index
      %swap3A_102 = arith.constant 96 : index
      %swap3A_103 = tpu.vector_load %arg9[%swap3A_101, %swap3A_102] {strides = array<i32>} : memref<128x128xf32, #tpu.memory_space<vmem>>, vector<16xf32>,
      tpu.vector_store %arg9[%swap3A_101, %swap3A_102], %broadcast_in_dim3A_0 {strides = array<i32>} : memref<128x128xf32, #tpu.memory_space<vmem>>, vector<16xf32>,
      %swap3A_104 = arith.index_cast %scan3A_82 : i32 to index
      %swap3A_105 = arith.constant 112 : index
      %swap3A_106 = tpu.vector_load %arg9[%swap3A_104, %swap3A_105] {strides = array<i32>} : memref<128x128xf32, #tpu.memory_space<vmem>>, vector<16xf32>,
      tpu.vector_store %arg9[%swap3A_104, %swap3A_105], %broadcast_in_dim3A_0 {strides = array<i32>} : memref<128x128xf32, #tpu.memory_space<vmem>>, vector<16xf32>,
      %scan3A_107 = arith.constant 0 : i32
      scf.yield %scan3A_107 : i32
    }
    %scan3A_8 = arith.constant 128 : i32
    %scan3A_9 = arith.constant 0 : i32
    %scan3A_10 = arith.constant 0 : i32
    %scan3A_11 = arith.constant 328 : i32
    %scan3A_12 = arith.addi %scan3A_10, %scan3A_11 : i32
    %scan3A_13 = arith.constant 1 : i32
    %scan3A_14 = scf.for %scan3A_82 = %scan3A_10 to %scan3A_12 step %scan3A_13 iter_args(%scan3A_83 = %scan3A_9) -> (i32)  : i32 {
      %mul3A_84 = arith.constant 16 : i32
      %mul3A_85 = arith.muli %scan3A_82, %mul3A_84 : i32
      %swap3A = arith.index_cast %mul3A_85 : i32 to index
      %swap3A_86 = tpu.vector_load %arg11[%swap3A] {strides = array<i32>} : memref<5248xf32, #tpu.memory_space<vmem>>, vector<16xf32>,
      tpu.vector_store %arg11[%swap3A], %broadcast_in_dim3A_0 {strides = array<i32>} : memref<5248xf32, #tpu.memory_space<vmem>>, vector<16xf32>,
      %scan3A_87 = arith.constant 0 : i32
      scf.yield %scan3A_87 : i32
    }
    %scan3A_15 = arith.constant 328 : i32
    %mul3A = arith.constant 328 : i32
    %mul3A_16 = arith.muli %arg1, %mul3A : i32
    %add3A = arith.constant 0 : i32
    %add3A_17 = arith.addi %mul3A_16, %add3A : i32
    "tpu.region"() ({
      %run_scoped3A_82 = tpu.sem_alloc : memref<!tpu.dma_semaphore, #tpu.memory_space<semaphore_mem>>
      %dma_start3A_83 = arith.constant 0 : i32
      %dma_start3A_84 = arith.constant 0 : i32
      %dma_start3A_85 = tpu.memref_slice %arg9[%dma_start3A_83, %dma_start3A_84] : memref<128x128xf32, #tpu.memory_space<vmem>> -> memref<128x128xf32, #tpu.memory_space<vmem>>
      %dma_start3A_86 = arith.constant 0 : i32
      %dma_start3A_87 = tpu.memref_slice %arg14[%add3A_17, %dma_start3A_86] : memref<5248x128xf32, #tpu.memory_space<vmem_shared>> -> memref<128x128xf32, #tpu.memory_space<vmem_shared>>
      %dma_start3A_88 = arith.constant 0 : i32
      %dma_start3A_89 = tpu.memref_slice %arg14[%add3A_17, %dma_start3A_88] : memref<5248x128xf32, #tpu.memory_space<vmem_shared>> -> memref<128x128xf32, #tpu.memory_space<vmem_shared>>
      %dma_start3A_90 = arith.constant 0 : i32
      %dma_start3A_91 = arith.constant 0 : i32
      %dma_start3A_92 = tpu.memref_slice %arg9[%dma_start3A_90, %dma_start3A_91] : memref<128x128xf32, #tpu.memory_space<vmem>> -> memref<128x128xf32, #tpu.memory_space<vmem>>
      tpu.enqueue_dma source(%dma_start3A_92 : memref<128x128xf32, #tpu.memory_space<vmem>>) target(%dma_start3A_89 : memref<128x128xf32, #tpu.memory_space<vmem_shared>>) target_semaphore(%run_scoped3A_82 : memref<!tpu.dma_semaphore, #tpu.memory_space<semaphore_mem>>)
      %dma_wait3A_93 = arith.constant 0 : i32
      %dma_wait3A_94 = arith.constant 0 : i32
      %dma_wait3A_95 = tpu.memref_slice %arg9[%dma_wait3A_93, %dma_wait3A_94] : memref<128x128xf32, #tpu.memory_space<vmem>> -> memref<128x128xf32, #tpu.memory_space<vmem>>
      %dma_wait3A_96 = arith.constant 0 : i32
      %dma_wait3A_97 = tpu.memref_slice %arg14[%add3A_17, %dma_wait3A_96] : memref<5248x128xf32, #tpu.memory_space<vmem_shared>> -> memref<128x128xf32, #tpu.memory_space<vmem_shared>>
      %dma_wait3A_98 = arith.constant 0 : i32
      %dma_wait3A_99 = tpu.memref_slice %arg14[%add3A_17, %dma_wait3A_98] : memref<5248x128xf32, #tpu.memory_space<vmem_shared>> -> memref<128x128xf32, #tpu.memory_space<vmem_shared>>
      %dma_wait3A_100 = arith.constant 0 : i32
      %dma_wait3A_101 = arith.constant 0 : i32
      %dma_wait3A_102 = tpu.memref_slice %arg9[%dma_wait3A_100, %dma_wait3A_101] : memref<128x128xf32, #tpu.memory_space<vmem>> -> memref<128x128xf32, #tpu.memory_space<vmem>>
      tpu.wait_dma2 semaphore(%run_scoped3A_82 : memref<!tpu.dma_semaphore, #tpu.memory_space<semaphore_mem>>) src(%dma_wait3A_102 : memref<128x128xf32, #tpu.memory_space<vmem>>) dst(%dma_wait3A_99 : memref<128x128xf32, #tpu.memory_space<vmem_shared>>)
      tpu.yield
    }) : () -> ()
    %add3A_18 = arith.constant 128 : i32
    %add3A_19 = arith.addi %mul3A_16, %add3A_18 : i32
    "tpu.region"() ({
      %run_scoped3A_82 = tpu.sem_alloc : memref<!tpu.dma_semaphore, #tpu.memory_space<semaphore_mem>>
      %dma_start3A_83 = arith.constant 0 : i32
      %dma_start3A_84 = arith.constant 0 : i32
      %dma_start3A_85 = tpu.memref_slice %arg9[%dma_start3A_83, %dma_start3A_84] : memref<128x128xf32, #tpu.memory_space<vmem>> -> memref<128x128xf32, #tpu.memory_space<vmem>>
      %dma_start3A_86 = arith.constant 0 : i32
      %dma_start3A_87 = tpu.memref_slice %arg14[%add3A_19, %dma_start3A_86] : memref<5248x128xf32, #tpu.memory_space<vmem_shared>> -> memref<128x128xf32, #tpu.memory_space<vmem_shared>>
      %dma_start3A_88 = arith.constant 0 : i32
      %dma_start3A_89 = tpu.memref_slice %arg14[%add3A_19, %dma_start3A_88] : memref<5248x128xf32, #tpu.memory_space<vmem_shared>> -> memref<128x128xf32, #tpu.memory_space<vmem_shared>>
      %dma_start3A_90 = arith.constant 0 : i32
      %dma_start3A_91 = arith.constant 0 : i32
      %dma_start3A_92 = tpu.memref_slice %arg9[%dma_start3A_90, %dma_start3A_91] : memref<128x128xf32, #tpu.memory_space<vmem>> -> memref<128x128xf32, #tpu.memory_space<vmem>>
      tpu.enqueue_dma source(%dma_start3A_92 : memref<128x128xf32, #tpu.memory_space<vmem>>) target(%dma_start3A_89 : memref<128x128xf32, #tpu.memory_space<vmem_shared>>) target_semaphore(%run_scoped3A_82 : memref<!tpu.dma_semaphore, #tpu.memory_space<semaphore_mem>>)
      %dma_wait3A_93 = arith.constant 0 : i32
      %dma_wait3A_94 = arith.constant 0 : i32
      %dma_wait3A_95 = tpu.memref_slice %arg9[%dma_wait3A_93, %dma_wait3A_94] : memref<128x128xf32, #tpu.memory_space<vmem>> -> memref<128x128xf32, #tpu.memory_space<vmem>>
      %dma_wait3A_96 = arith.constant 0 : i32
      %dma_wait3A_97 = tpu.memref_slice %arg14[%add3A_19, %dma_wait3A_96] : memref<5248x128xf32, #tpu.memory_space<vmem_shared>> -> memref<128x128xf32, #tpu.memory_space<vmem_shared>>
      %dma_wait3A_98 = arith.constant 0 : i32
      %dma_wait3A_99 = tpu.memref_slice %arg14[%add3A_19, %dma_wait3A_98] : memref<5248x128xf32, #tpu.memory_space<vmem_shared>> -> memref<128x128xf32, #tpu.memory_space<vmem_shared>>
      %dma_wait3A_100 = arith.constant 0 : i32
      %dma_wait3A_101 = arith.constant 0 : i32
      %dma_wait3A_102 = tpu.memref_slice %arg9[%dma_wait3A_100, %dma_wait3A_101] : memref<128x128xf32, #tpu.memory_space<vmem>> -> memref<128x128xf32, #tpu.memory_space<vmem>>
      tpu.wait_dma2 semaphore(%run_scoped3A_82 : memref<!tpu.dma_semaphore, #tpu.memory_space<semaphore_mem>>) src(%dma_wait3A_102 : memref<128x128xf32, #tpu.memory_space<vmem>>) dst(%dma_wait3A_99 : memref<128x128xf32, #tpu.memory_space<vmem_shared>>)
      tpu.yield
    }) : () -> ()
    %add3A_20 = arith.constant 256 : i32
    %add3A_21 = arith.addi %mul3A_16, %add3A_20 : i32
    "tpu.region"() ({
      %run_scoped3A_82 = tpu.sem_alloc : memref<!tpu.dma_semaphore, #tpu.memory_space<semaphore_mem>>
      %dma_start3A_83 = arith.constant 0 : i32
      %dma_start3A_84 = arith.constant 0 : i32
      %dma_start3A_85 = tpu.memref_slice %arg9[%dma_start3A_83, %dma_start3A_84] : memref<128x128xf32, #tpu.memory_space<vmem>> -> memref<72x128xf32, #tpu.memory_space<vmem>>
      %dma_start3A_86 = arith.constant 0 : i32
      %dma_start3A_87 = tpu.memref_slice %arg14[%add3A_21, %dma_start3A_86] : memref<5248x128xf32, #tpu.memory_space<vmem_shared>> -> memref<72x128xf32, #tpu.memory_space<vmem_shared>>
      %dma_start3A_88 = arith.constant 0 : i32
      %dma_start3A_89 = tpu.memref_slice %arg14[%add3A_21, %dma_start3A_88] : memref<5248x128xf32, #tpu.memory_space<vmem_shared>> -> memref<72x128xf32, #tpu.memory_space<vmem_shared>>
      %dma_start3A_90 = arith.constant 0 : i32
      %dma_start3A_91 = arith.constant 0 : i32
      %dma_start3A_92 = tpu.memref_slice %arg9[%dma_start3A_90, %dma_start3A_91] : memref<128x128xf32, #tpu.memory_space<vmem>> -> memref<72x128xf32, #tpu.memory_space<vmem>>
      tpu.enqueue_dma source(%dma_start3A_92 : memref<72x128xf32, #tpu.memory_space<vmem>>) target(%dma_start3A_89 : memref<72x128xf32, #tpu.memory_space<vmem_shared>>) target_semaphore(%run_scoped3A_82 : memref<!tpu.dma_semaphore, #tpu.memory_space<semaphore_mem>>)
      %dma_wait3A_93 = arith.constant 0 : i32
      %dma_wait3A_94 = arith.constant 0 : i32
      %dma_wait3A_95 = tpu.memref_slice %arg9[%dma_wait3A_93, %dma_wait3A_94] : memref<128x128xf32, #tpu.memory_space<vmem>> -> memref<72x128xf32, #tpu.memory_space<vmem>>
      %dma_wait3A_96 = arith.constant 0 : i32
      %dma_wait3A_97 = tpu.memref_slice %arg14[%add3A_21, %dma_wait3A_96] : memref<5248x128xf32, #tpu.memory_space<vmem_shared>> -> memref<72x128xf32, #tpu.memory_space<vmem_shared>>
      %dma_wait3A_98 = arith.constant 0 : i32
      %dma_wait3A_99 = tpu.memref_slice %arg14[%add3A_21, %dma_wait3A_98] : memref<5248x128xf32, #tpu.memory_space<vmem_shared>> -> memref<72x128xf32, #tpu.memory_space<vmem_shared>>
      %dma_wait3A_100 = arith.constant 0 : i32
      %dma_wait3A_101 = arith.constant 0 : i32
      %dma_wait3A_102 = tpu.memref_slice %arg9[%dma_wait3A_100, %dma_wait3A_101] : memref<128x128xf32, #tpu.memory_space<vmem>> -> memref<72x128xf32, #tpu.memory_space<vmem>>
      tpu.wait_dma2 semaphore(%run_scoped3A_82 : memref<!tpu.dma_semaphore, #tpu.memory_space<semaphore_mem>>) src(%dma_wait3A_102 : memref<72x128xf32, #tpu.memory_space<vmem>>) dst(%dma_wait3A_99 : memref<72x128xf32, #tpu.memory_space<vmem_shared>>)
      tpu.yield
    }) : () -> ()
    %barrier3A = arith.constant 0 : index
    tpu.barrier barrier_id(%barrier3A)
    "tpu.region"() ({
      %run_scoped3A_82 = tpu.sem_alloc : memref<!tpu.dma_semaphore, #tpu.memory_space<semaphore_mem>>
      %dma_start3A_83 = arith.constant 0 : i32
      %dma_start3A_84 = arith.constant 0 : i32
      %dma_start3A_85 = tpu.memref_slice %arg3[%arg1, %dma_start3A_83, %dma_start3A_84] : memref<16x157x128xi32, #tpu.memory_space<hbm>> -> memref<1x157x128xi32, #tpu.memory_space<hbm>>
      %dma_start3A_86 = tpu.memref_squeeze %dma_start3A_85 : memref<1x157x128xi32, #tpu.memory_space<hbm>> -> memref<157x128xi32, #tpu.memory_space<hbm>>
      %dma_start3A_87 = arith.constant 0 : i32
      %dma_start3A_88 = arith.constant 0 : i32
      %dma_start3A_89 = tpu.memref_slice %arg3[%arg1, %dma_start3A_87, %dma_start3A_88] : memref<16x157x128xi32, #tpu.memory_space<hbm>> -> memref<1x157x128xi32, #tpu.memory_space<hbm>>
      %dma_start3A_90 = tpu.memref_squeeze %dma_start3A_89 : memref<1x157x128xi32, #tpu.memory_space<hbm>> -> memref<157x128xi32, #tpu.memory_space<hbm>>
      tpu.enqueue_dma source(%dma_start3A_90 : memref<157x128xi32, #tpu.memory_space<hbm>>) target(%arg7 : memref<157x128xi32, #tpu.memory_space<vmem>>) target_semaphore(%run_scoped3A_82 : memref<!tpu.dma_semaphore, #tpu.memory_space<semaphore_mem>>)
      %dma_wait3A_91 = arith.constant 0 : i32
      %dma_wait3A_92 = arith.constant 0 : i32
      %dma_wait3A_93 = tpu.memref_slice %arg3[%arg1, %dma_wait3A_91, %dma_wait3A_92] : memref<16x157x128xi32, #tpu.memory_space<hbm>> -> memref<1x157x128xi32, #tpu.memory_space<hbm>>
      %dma_wait3A_94 = tpu.memref_squeeze %dma_wait3A_93 : memref<1x157x128xi32, #tpu.memory_space<hbm>> -> memref<157x128xi32, #tpu.memory_space<hbm>>
      %dma_wait3A_95 = arith.constant 0 : i32
      %dma_wait3A_96 = arith.constant 0 : i32
      %dma_wait3A_97 = tpu.memref_slice %arg3[%arg1, %dma_wait3A_95, %dma_wait3A_96] : memref<16x157x128xi32, #tpu.memory_space<hbm>> -> memref<1x157x128xi32, #tpu.memory_space<hbm>>
      %dma_wait3A_98 = tpu.memref_squeeze %dma_wait3A_97 : memref<1x157x128xi32, #tpu.memory_space<hbm>> -> memref<157x128xi32, #tpu.memory_space<hbm>>
      tpu.wait_dma2 semaphore(%run_scoped3A_82 : memref<!tpu.dma_semaphore, #tpu.memory_space<semaphore_mem>>) src(%dma_wait3A_98 : memref<157x128xi32, #tpu.memory_space<hbm>>) dst(%arg7 : memref<157x128xi32, #tpu.memory_space<vmem>>)
      tpu.yield
    }) : () -> ()
    "tpu.region"() ({
      %run_scoped3A_82 = tpu.sem_alloc : memref<!tpu.dma_semaphore, #tpu.memory_space<semaphore_mem>>
      %dma_start3A_83 = arith.constant 0 : i32
      %dma_start3A_84 = arith.constant 0 : i32
      %dma_start3A_85 = tpu.memref_slice %arg4[%arg1, %dma_start3A_83, %dma_start3A_84] : memref<16x157x128xi32, #tpu.memory_space<hbm>> -> memref<1x157x128xi32, #tpu.memory_space<hbm>>
      %dma_start3A_86 = tpu.memref_squeeze %dma_start3A_85 : memref<1x157x128xi32, #tpu.memory_space<hbm>> -> memref<157x128xi32, #tpu.memory_space<hbm>>
      %dma_start3A_87 = arith.constant 0 : i32
      %dma_start3A_88 = arith.constant 0 : i32
      %dma_start3A_89 = tpu.memref_slice %arg4[%arg1, %dma_start3A_87, %dma_start3A_88] : memref<16x157x128xi32, #tpu.memory_space<hbm>> -> memref<1x157x128xi32, #tpu.memory_space<hbm>>
      %dma_start3A_90 = tpu.memref_squeeze %dma_start3A_89 : memref<1x157x128xi32, #tpu.memory_space<hbm>> -> memref<157x128xi32, #tpu.memory_space<hbm>>
      tpu.enqueue_dma source(%dma_start3A_90 : memref<157x128xi32, #tpu.memory_space<hbm>>) target(%arg8 : memref<157x128xi32, #tpu.memory_space<vmem>>) target_semaphore(%run_scoped3A_82 : memref<!tpu.dma_semaphore, #tpu.memory_space<semaphore_mem>>)
      %dma_wait3A_91 = arith.constant 0 : i32
      %dma_wait3A_92 = arith.constant 0 : i32
      %dma_wait3A_93 = tpu.memref_slice %arg4[%arg1, %dma_wait3A_91, %dma_wait3A_92] : memref<16x157x128xi32, #tpu.memory_space<hbm>> -> memref<1x157x128xi32, #tpu.memory_space<hbm>>
      %dma_wait3A_94 = tpu.memref_squeeze %dma_wait3A_93 : memref<1x157x128xi32, #tpu.memory_space<hbm>> -> memref<157x128xi32, #tpu.memory_space<hbm>>
      %dma_wait3A_95 = arith.constant 0 : i32
      %dma_wait3A_96 = arith.constant 0 : i32
      %dma_wait3A_97 = tpu.memref_slice %arg4[%arg1, %dma_wait3A_95, %dma_wait3A_96] : memref<16x157x128xi32, #tpu.memory_space<hbm>> -> memref<1x157x128xi32, #tpu.memory_space<hbm>>
      %dma_wait3A_98 = tpu.memref_squeeze %dma_wait3A_97 : memref<1x157x128xi32, #tpu.memory_space<hbm>> -> memref<157x128xi32, #tpu.memory_space<hbm>>
      tpu.wait_dma2 semaphore(%run_scoped3A_82 : memref<!tpu.dma_semaphore, #tpu.memory_space<semaphore_mem>>) src(%dma_wait3A_98 : memref<157x128xi32, #tpu.memory_space<hbm>>) dst(%arg8 : memref<157x128xi32, #tpu.memory_space<vmem>>)
      tpu.yield
    }) : () -> ()
    %mul3A_22 = arith.constant 5120 : i32
    %mul3A_23 = arith.muli %arg0, %mul3A_22 : i32
    %scan3A_24 = arith.constant 0 : i32
    %scan3A_25 = arith.constant 0 : i32
    %scan3A_26 = arith.constant 157 : i32
    %scan3A_27 = arith.addi %scan3A_25, %scan3A_26 : i32
    %scan3A_28 = arith.constant 1 : i32
    %scan3A_29 = scf.for %scan3A_82 = %scan3A_25 to %scan3A_27 step %scan3A_28 iter_args(%scan3A_83 = %scan3A_24) -> (i32)  : i32 {
      %get3A_84 = arith.index_cast %scan3A_82 : i32 to index
      %get3A_85 = arith.constant 0 : index
      %get3A_86 = tpu.vector_load %arg8[%get3A_84, %get3A_85] {strides = array<i32>} : memref<157x128xi32, #tpu.memory_space<vmem>>, vector<16xi32>,
      %sub3A = vector.broadcast %mul3A_23 : i32 to vector<16xi32>
      %sub3A_87 = arith.subi %get3A_86, %sub3A : vector<16xi32>
      %ge3A = arith.constant 0 : i32
      %ge3A_88 = vector.broadcast %ge3A : i32 to vector<16xi32>
      %ge3A_89 = arith.cmpi sge, %sub3A_87, %ge3A_88 : vector<16xi32>
      %lt3A = arith.constant 5120 : i32
      %lt3A_90 = vector.broadcast %lt3A : i32 to vector<16xi32>
      %lt3A_91 = arith.cmpi slt, %sub3A_87, %lt3A_90 : vector<16xi32>
      %and3A = arith.andi %ge3A_89, %lt3A_91 : vector<16xi1>
      %and3A_92 = arith.constant 127 : i32
      %and3A_93 = vector.broadcast %and3A_92 : i32 to vector<16xi32>
      %and3A_94 = arith.andi %sub3A_87, %and3A_93 : vector<16xi32>
      %add3A_95 = arith.constant 5120 : i32
      %add3A_96 = vector.broadcast %add3A_95 : i32 to vector<16xi32>
      %add3A_97 = arith.addi %add3A_96, %and3A_94 : vector<16xi32>
      %select_n3A = arith.select %and3A, %sub3A_87, %add3A_97 : vector<16xi1>, vector<16xi32>
      %swap3A = arith.index_cast %scan3A_82 : i32 to index
      %swap3A_98 = arith.constant 0 : index
      %swap3A_99 = tpu.vector_load %arg8[%swap3A, %swap3A_98] {strides = array<i32>} : memref<157x128xi32, #tpu.memory_space<vmem>>, vector<16xi32>,
      tpu.vector_store %arg8[%swap3A, %swap3A_98], %select_n3A {strides = array<i32>} : memref<157x128xi32, #tpu.memory_space<vmem>>, vector<16xi32>,
      %get3A_100 = arith.index_cast %scan3A_82 : i32 to index
      %get3A_101 = arith.constant 16 : index
      %get3A_102 = tpu.vector_load %arg8[%get3A_100, %get3A_101] {strides = array<i32>} : memref<157x128xi32, #tpu.memory_space<vmem>>, vector<16xi32>,
      %sub3A_103 = vector.broadcast %mul3A_23 : i32 to vector<16xi32>
      %sub3A_104 = arith.subi %get3A_102, %sub3A_103 : vector<16xi32>
      %ge3A_105 = arith.constant 0 : i32
      %ge3A_106 = vector.broadcast %ge3A_105 : i32 to vector<16xi32>
      %ge3A_107 = arith.cmpi sge, %sub3A_104, %ge3A_106 : vector<16xi32>
      %lt3A_108 = arith.constant 5120 : i32
      %lt3A_109 = vector.broadcast %lt3A_108 : i32 to vector<16xi32>
      %lt3A_110 = arith.cmpi slt, %sub3A_104, %lt3A_109 : vector<16xi32>
      %and3A_111 = arith.andi %ge3A_107, %lt3A_110 : vector<16xi1>
      %and3A_112 = arith.constant 127 : i32
      %and3A_113 = vector.broadcast %and3A_112 : i32 to vector<16xi32>
      %and3A_114 = arith.andi %sub3A_104, %and3A_113 : vector<16xi32>
      %add3A_115 = arith.constant 5120 : i32
      %add3A_116 = vector.broadcast %add3A_115 : i32 to vector<16xi32>
      %add3A_117 = arith.addi %add3A_116, %and3A_114 : vector<16xi32>
      %select_n3A_118 = arith.select %and3A_111, %sub3A_104, %add3A_117 : vector<16xi1>, vector<16xi32>
      %swap3A_119 = arith.index_cast %scan3A_82 : i32 to index
      %swap3A_120 = arith.constant 16 : index
      %swap3A_121 = tpu.vector_load %arg8[%swap3A_119, %swap3A_120] {strides = array<i32>} : memref<157x128xi32, #tpu.memory_space<vmem>>, vector<16xi32>,
      tpu.vector_store %arg8[%swap3A_119, %swap3A_120], %select_n3A_118 {strides = array<i32>} : memref<157x128xi32, #tpu.memory_space<vmem>>, vector<16xi32>,
      %get3A_122 = arith.index_cast %scan3A_82 : i32 to index
      %get3A_123 = arith.constant 32 : index
      %get3A_124 = tpu.vector_load %arg8[%get3A_122, %get3A_123] {strides = array<i32>} : memref<157x128xi32, #tpu.memory_space<vmem>>, vector<16xi32>,
      %sub3A_125 = vector.broadcast %mul3A_23 : i32 to vector<16xi32>
      %sub3A_126 = arith.subi %get3A_124, %sub3A_125 : vector<16xi32>
      %ge3A_127 = arith.constant 0 : i32
      %ge3A_128 = vector.broadcast %ge3A_127 : i32 to vector<16xi32>
      %ge3A_129 = arith.cmpi sge, %sub3A_126, %ge3A_128 : vector<16xi32>
      %lt3A_130 = arith.constant 5120 : i32
      %lt3A_131 = vector.broadcast %lt3A_130 : i32 to vector<16xi32>
      %lt3A_132 = arith.cmpi slt, %sub3A_126, %lt3A_131 : vector<16xi32>
      %and3A_133 = arith.andi %ge3A_129, %lt3A_132 : vector<16xi1>
      %and3A_134 = arith.constant 127 : i32
      %and3A_135 = vector.broadcast %and3A_134 : i32 to vector<16xi32>
      %and3A_136 = arith.andi %sub3A_126, %and3A_135 : vector<16xi32>
      %add3A_137 = arith.constant 5120 : i32
      %add3A_138 = vector.broadcast %add3A_137 : i32 to vector<16xi32>
      %add3A_139 = arith.addi %add3A_138, %and3A_136 : vector<16xi32>
      %select_n3A_140 = arith.select %and3A_133, %sub3A_126, %add3A_139 : vector<16xi1>, vector<16xi32>
      %swap3A_141 = arith.index_cast %scan3A_82 : i32 to index
      %swap3A_142 = arith.constant 32 : index
      %swap3A_143 = tpu.vector_load %arg8[%swap3A_141, %swap3A_142] {strides = array<i32>} : memref<157x128xi32, #tpu.memory_space<vmem>>, vector<16xi32>,
      tpu.vector_store %arg8[%swap3A_141, %swap3A_142], %select_n3A_140 {strides = array<i32>} : memref<157x128xi32, #tpu.memory_space<vmem>>, vector<16xi32>,
      %get3A_144 = arith.index_cast %scan3A_82 : i32 to index
      %get3A_145 = arith.constant 48 : index
      %get3A_146 = tpu.vector_load %arg8[%get3A_144, %get3A_145] {strides = array<i32>} : memref<157x128xi32, #tpu.memory_space<vmem>>, vector<16xi32>,
      %sub3A_147 = vector.broadcast %mul3A_23 : i32 to vector<16xi32>
      %sub3A_148 = arith.subi %get3A_146, %sub3A_147 : vector<16xi32>
      %ge3A_149 = arith.constant 0 : i32
      %ge3A_150 = vector.broadcast %ge3A_149 : i32 to vector<16xi32>
      %ge3A_151 = arith.cmpi sge, %sub3A_148, %ge3A_150 : vector<16xi32>
      %lt3A_152 = arith.constant 5120 : i32
      %lt3A_153 = vector.broadcast %lt3A_152 : i32 to vector<16xi32>
      %lt3A_154 = arith.cmpi slt, %sub3A_148, %lt3A_153 : vector<16xi32>
      %and3A_155 = arith.andi %ge3A_151, %lt3A_154 : vector<16xi1>
      %and3A_156 = arith.constant 127 : i32
      %and3A_157 = vector.broadcast %and3A_156 : i32 to vector<16xi32>
      %and3A_158 = arith.andi %sub3A_148, %and3A_157 : vector<16xi32>
      %add3A_159 = arith.constant 5120 : i32
      %add3A_160 = vector.broadcast %add3A_159 : i32 to vector<16xi32>
      %add3A_161 = arith.addi %add3A_160, %and3A_158 : vector<16xi32>
      %select_n3A_162 = arith.select %and3A_155, %sub3A_148, %add3A_161 : vector<16xi1>, vector<16xi32>
      %swap3A_163 = arith.index_cast %scan3A_82 : i32 to index
      %swap3A_164 = arith.constant 48 : index
      %swap3A_165 = tpu.vector_load %arg8[%swap3A_163, %swap3A_164] {strides = array<i32>} : memref<157x128xi32, #tpu.memory_space<vmem>>, vector<16xi32>,
      tpu.vector_store %arg8[%swap3A_163, %swap3A_164], %select_n3A_162 {strides = array<i32>} : memref<157x128xi32, #tpu.memory_space<vmem>>, vector<16xi32>,
      %get3A_166 = arith.index_cast %scan3A_82 : i32 to index
      %get3A_167 = arith.constant 64 : index
      %get3A_168 = tpu.vector_load %arg8[%get3A_166, %get3A_167] {strides = array<i32>} : memref<157x128xi32, #tpu.memory_space<vmem>>, vector<16xi32>,
      %sub3A_169 = vector.broadcast %mul3A_23 : i32 to vector<16xi32>
      %sub3A_170 = arith.subi %get3A_168, %sub3A_169 : vector<16xi32>
      %ge3A_171 = arith.constant 0 : i32
      %ge3A_172 = vector.broadcast %ge3A_171 : i32 to vector<16xi32>
      %ge3A_173 = arith.cmpi sge, %sub3A_170, %ge3A_172 : vector<16xi32>
      %lt3A_174 = arith.constant 5120 : i32
      %lt3A_175 = vector.broadcast %lt3A_174 : i32 to vector<16xi32>
      %lt3A_176 = arith.cmpi slt, %sub3A_170, %lt3A_175 : vector<16xi32>
      %and3A_177 = arith.andi %ge3A_173, %lt3A_176 : vector<16xi1>
      %and3A_178 = arith.constant 127 : i32
      %and3A_179 = vector.broadcast %and3A_178 : i32 to vector<16xi32>
      %and3A_180 = arith.andi %sub3A_170, %and3A_179 : vector<16xi32>
      %add3A_181 = arith.constant 5120 : i32
      %add3A_182 = vector.broadcast %add3A_181 : i32 to vector<16xi32>
      %add3A_183 = arith.addi %add3A_182, %and3A_180 : vector<16xi32>
      %select_n3A_184 = arith.select %and3A_177, %sub3A_170, %add3A_183 : vector<16xi1>, vector<16xi32>
      %swap3A_185 = arith.index_cast %scan3A_82 : i32 to index
      %swap3A_186 = arith.constant 64 : index
      %swap3A_187 = tpu.vector_load %arg8[%swap3A_185, %swap3A_186] {strides = array<i32>} : memref<157x128xi32, #tpu.memory_space<vmem>>, vector<16xi32>,
      tpu.vector_store %arg8[%swap3A_185, %swap3A_186], %select_n3A_184 {strides = array<i32>} : memref<157x128xi32, #tpu.memory_space<vmem>>, vector<16xi32>,
      %get3A_188 = arith.index_cast %scan3A_82 : i32 to index
      %get3A_189 = arith.constant 80 : index
      %get3A_190 = tpu.vector_load %arg8[%get3A_188, %get3A_189] {strides = array<i32>} : memref<157x128xi32, #tpu.memory_space<vmem>>, vector<16xi32>,
      %sub3A_191 = vector.broadcast %mul3A_23 : i32 to vector<16xi32>
      %sub3A_192 = arith.subi %get3A_190, %sub3A_191 : vector<16xi32>
      %ge3A_193 = arith.constant 0 : i32
      %ge3A_194 = vector.broadcast %ge3A_193 : i32 to vector<16xi32>
      %ge3A_195 = arith.cmpi sge, %sub3A_192, %ge3A_194 : vector<16xi32>
      %lt3A_196 = arith.constant 5120 : i32
      %lt3A_197 = vector.broadcast %lt3A_196 : i32 to vector<16xi32>
      %lt3A_198 = arith.cmpi slt, %sub3A_192, %lt3A_197 : vector<16xi32>
      %and3A_199 = arith.andi %ge3A_195, %lt3A_198 : vector<16xi1>
      %and3A_200 = arith.constant 127 : i32
      %and3A_201 = vector.broadcast %and3A_200 : i32 to vector<16xi32>
      %and3A_202 = arith.andi %sub3A_192, %and3A_201 : vector<16xi32>
      %add3A_203 = arith.constant 5120 : i32
      %add3A_204 = vector.broadcast %add3A_203 : i32 to vector<16xi32>
      %add3A_205 = arith.addi %add3A_204, %and3A_202 : vector<16xi32>
      %select_n3A_206 = arith.select %and3A_199, %sub3A_192, %add3A_205 : vector<16xi1>, vector<16xi32>
      %swap3A_207 = arith.index_cast %scan3A_82 : i32 to index
      %swap3A_208 = arith.constant 80 : index
      %swap3A_209 = tpu.vector_load %arg8[%swap3A_207, %swap3A_208] {strides = array<i32>} : memref<157x128xi32, #tpu.memory_space<vmem>>, vector<16xi32>,
      tpu.vector_store %arg8[%swap3A_207, %swap3A_208], %select_n3A_206 {strides = array<i32>} : memref<157x128xi32, #tpu.memory_space<vmem>>, vector<16xi32>,
      %get3A_210 = arith.index_cast %scan3A_82 : i32 to index
      %get3A_211 = arith.constant 96 : index
      %get3A_212 = tpu.vector_load %arg8[%get3A_210, %get3A_211] {strides = array<i32>} : memref<157x128xi32, #tpu.memory_space<vmem>>, vector<16xi32>,
      %sub3A_213 = vector.broadcast %mul3A_23 : i32 to vector<16xi32>
      %sub3A_214 = arith.subi %get3A_212, %sub3A_213 : vector<16xi32>
      %ge3A_215 = arith.constant 0 : i32
      %ge3A_216 = vector.broadcast %ge3A_215 : i32 to vector<16xi32>
      %ge3A_217 = arith.cmpi sge, %sub3A_214, %ge3A_216 : vector<16xi32>
      %lt3A_218 = arith.constant 5120 : i32
      %lt3A_219 = vector.broadcast %lt3A_218 : i32 to vector<16xi32>
      %lt3A_220 = arith.cmpi slt, %sub3A_214, %lt3A_219 : vector<16xi32>
      %and3A_221 = arith.andi %ge3A_217, %lt3A_220 : vector<16xi1>
      %and3A_222 = arith.constant 127 : i32
      %and3A_223 = vector.broadcast %and3A_222 : i32 to vector<16xi32>
      %and3A_224 = arith.andi %sub3A_214, %and3A_223 : vector<16xi32>
      %add3A_225 = arith.constant 5120 : i32
      %add3A_226 = vector.broadcast %add3A_225 : i32 to vector<16xi32>
      %add3A_227 = arith.addi %add3A_226, %and3A_224 : vector<16xi32>
      %select_n3A_228 = arith.select %and3A_221, %sub3A_214, %add3A_227 : vector<16xi1>, vector<16xi32>
      %swap3A_229 = arith.index_cast %scan3A_82 : i32 to index
      %swap3A_230 = arith.constant 96 : index
      %swap3A_231 = tpu.vector_load %arg8[%swap3A_229, %swap3A_230] {strides = array<i32>} : memref<157x128xi32, #tpu.memory_space<vmem>>, vector<16xi32>,
      tpu.vector_store %arg8[%swap3A_229, %swap3A_230], %select_n3A_228 {strides = array<i32>} : memref<157x128xi32, #tpu.memory_space<vmem>>, vector<16xi32>,
      %get3A_232 = arith.index_cast %scan3A_82 : i32 to index
      %get3A_233 = arith.constant 112 : index
      %get3A_234 = tpu.vector_load %arg8[%get3A_232, %get3A_233] {strides = array<i32>} : memref<157x128xi32, #tpu.memory_space<vmem>>, vector<16xi32>,
      %sub3A_235 = vector.broadcast %mul3A_23 : i32 to vector<16xi32>
      %sub3A_236 = arith.subi %get3A_234, %sub3A_235 : vector<16xi32>
      %ge3A_237 = arith.constant 0 : i32
      %ge3A_238 = vector.broadcast %ge3A_237 : i32 to vector<16xi32>
      %ge3A_239 = arith.cmpi sge, %sub3A_236, %ge3A_238 : vector<16xi32>
      %lt3A_240 = arith.constant 5120 : i32
      %lt3A_241 = vector.broadcast %lt3A_240 : i32 to vector<16xi32>
      %lt3A_242 = arith.cmpi slt, %sub3A_236, %lt3A_241 : vector<16xi32>
      %and3A_243 = arith.andi %ge3A_239, %lt3A_242 : vector<16xi1>
      %and3A_244 = arith.constant 127 : i32
      %and3A_245 = vector.broadcast %and3A_244 : i32 to vector<16xi32>
      %and3A_246 = arith.andi %sub3A_236, %and3A_245 : vector<16xi32>
      %add3A_247 = arith.constant 5120 : i32
      %add3A_248 = vector.broadcast %add3A_247 : i32 to vector<16xi32>
      %add3A_249 = arith.addi %add3A_248, %and3A_246 : vector<16xi32>
      %select_n3A_250 = arith.select %and3A_243, %sub3A_236, %add3A_249 : vector<16xi1>, vector<16xi32>
      %swap3A_251 = arith.index_cast %scan3A_82 : i32 to index
      %swap3A_252 = arith.constant 112 : index
      %swap3A_253 = tpu.vector_load %arg8[%swap3A_251, %swap3A_252] {strides = array<i32>} : memref<157x128xi32, #tpu.memory_space<vmem>>, vector<16xi32>,
      tpu.vector_store %arg8[%swap3A_251, %swap3A_252], %select_n3A_250 {strides = array<i32>} : memref<157x128xi32, #tpu.memory_space<vmem>>, vector<16xi32>,
      %scan3A_254 = arith.constant 0 : i32
      scf.yield %scan3A_254 : i32
    }
    %scan3A_30 = arith.constant 157 : i32
    %scan3A_31 = arith.constant 0 : i32
    %scan3A_32 = arith.constant 0 : i32
    %scan3A_33 = arith.constant 78 : i32
    %scan3A_34 = arith.addi %scan3A_32, %scan3A_33 : i32
    %scan3A_35 = arith.constant 1 : i32
    %scan3A_36 = scf.for %scan3A_82 = %scan3A_32 to %scan3A_34 step %scan3A_35 iter_args(%scan3A_83 = %scan3A_31) -> (i32)  : i32 {
      %mul3A_84 = arith.constant 2 : i32
      %mul3A_85 = arith.muli %mul3A_84, %scan3A_82 : i32
      %add3A_86 = arith.constant 1 : i32
      %add3A_87 = arith.addi %mul3A_85, %add3A_86 : i32
      %dma_start3A_88 = arith.constant 0 : i32
      %dma_start3A_89 = tpu.memref_slice %arg7[%mul3A_85, %dma_start3A_88] : memref<157x128xi32, #tpu.memory_space<vmem>> -> memref<1x128xi32, #tpu.memory_space<vmem>>
      %dma_start3A_90 = tpu.memref_squeeze %dma_start3A_89 : memref<1x128xi32, #tpu.memory_space<vmem>> -> memref<128xi32, #tpu.memory_space<vmem>>
      %dma_start3A_91 = arith.constant 0 : i32
      %dma_start3A_92 = arith.constant 0 : i32
      %dma_start3A_93 = tpu.memref_slice %arg2[%dma_start3A_91, %dma_start3A_92] : memref<10000x128xf32, #tpu.memory_space<hbm>> -> memref<10000x128xf32, #tpu.memory_space<hbm>>
      tpu.enqueue_indirect_dma source(%dma_start3A_93 : memref<10000x128xf32, #tpu.memory_space<hbm>>) target(%arg9 : memref<128x128xf32, #tpu.memory_space<vmem>>) offsets(%dma_start3A_90 : memref<128xi32, #tpu.memory_space<vmem>>) semaphore(%arg12 : memref<!tpu.dma_semaphore, #tpu.memory_space<semaphore_mem>>)
      %dma_start3A_94 = arith.constant 0 : i32
      %dma_start3A_95 = tpu.memref_slice %arg7[%add3A_87, %dma_start3A_94] : memref<157x128xi32, #tpu.memory_space<vmem>> -> memref<1x128xi32, #tpu.memory_space<vmem>>
      %dma_start3A_96 = tpu.memref_squeeze %dma_start3A_95 : memref<1x128xi32, #tpu.memory_space<vmem>> -> memref<128xi32, #tpu.memory_space<vmem>>
      %dma_start3A_97 = arith.constant 0 : i32
      %dma_start3A_98 = arith.constant 0 : i32
      %dma_start3A_99 = tpu.memref_slice %arg2[%dma_start3A_97, %dma_start3A_98] : memref<10000x128xf32, #tpu.memory_space<hbm>> -> memref<10000x128xf32, #tpu.memory_space<hbm>>
      tpu.enqueue_indirect_dma source(%dma_start3A_99 : memref<10000x128xf32, #tpu.memory_space<hbm>>) target(%arg10 : memref<128x128xf32, #tpu.memory_space<vmem>>) offsets(%dma_start3A_96 : memref<128xi32, #tpu.memory_space<vmem>>) semaphore(%arg13 : memref<!tpu.dma_semaphore, #tpu.memory_space<semaphore_mem>>)
      %dma_wait3A_100 = arith.constant 0 : i32
      %dma_wait3A_101 = tpu.memref_slice %arg7[%mul3A_85, %dma_wait3A_100] : memref<157x128xi32, #tpu.memory_space<vmem>> -> memref<1x128xi32, #tpu.memory_space<vmem>>
      %dma_wait3A_102 = tpu.memref_squeeze %dma_wait3A_101 : memref<1x128xi32, #tpu.memory_space<vmem>> -> memref<128xi32, #tpu.memory_space<vmem>>
      %dma_wait3A_103 = arith.constant 0 : i32
      %dma_wait3A_104 = arith.constant 0 : i32
      %dma_wait3A_105 = tpu.memref_slice %arg2[%dma_wait3A_103, %dma_wait3A_104] : memref<10000x128xf32, #tpu.memory_space<hbm>> -> memref<10000x128xf32, #tpu.memory_space<hbm>>
      tpu.wait_indirect_dma semaphore(%arg12 : memref<!tpu.dma_semaphore, #tpu.memory_space<semaphore_mem>>) src(%dma_wait3A_105 : memref<10000x128xf32, #tpu.memory_space<hbm>>) dst(%arg9 : memref<128x128xf32, #tpu.memory_space<vmem>>)
      "tpu.region"() ({
        %run_scoped3A_161 = tpu.sem_alloc : memref<!tpu.dma_semaphore, #tpu.memory_space<semaphore_mem>>
        %dma_start3A_162 = arith.constant 0 : i32
        %dma_start3A_163 = tpu.memref_slice %arg8[%mul3A_85, %dma_start3A_162] : memref<157x128xi32, #tpu.memory_space<vmem>> -> memref<1x128xi32, #tpu.memory_space<vmem>>
        %dma_start3A_164 = tpu.memref_squeeze %dma_start3A_163 : memref<1x128xi32, #tpu.memory_space<vmem>> -> memref<128xi32, #tpu.memory_space<vmem>>
        %dma_start3A_165 = arith.constant 0 : i32
        %dma_start3A_166 = arith.constant 0 : i32
        %dma_start3A_167 = tpu.memref_slice %arg14[%dma_start3A_165, %dma_start3A_166] : memref<5248x128xf32, #tpu.memory_space<vmem_shared>> -> memref<5248x128xf32, #tpu.memory_space<vmem_shared>>
        tpu.enqueue_indirect_dma source(%arg9 : memref<128x128xf32, #tpu.memory_space<vmem>>) target(%dma_start3A_167 : memref<5248x128xf32, #tpu.memory_space<vmem_shared>>) offsets(%dma_start3A_164 : memref<128xi32, #tpu.memory_space<vmem>>) semaphore(%run_scoped3A_161 : memref<!tpu.dma_semaphore, #tpu.memory_space<semaphore_mem>>) {add = true}
        %dma_wait3A_168 = arith.constant 0 : i32
        %dma_wait3A_169 = tpu.memref_slice %arg8[%mul3A_85, %dma_wait3A_168] : memref<157x128xi32, #tpu.memory_space<vmem>> -> memref<1x128xi32, #tpu.memory_space<vmem>>
        %dma_wait3A_170 = tpu.memref_squeeze %dma_wait3A_169 : memref<1x128xi32, #tpu.memory_space<vmem>> -> memref<128xi32, #tpu.memory_space<vmem>>
        %dma_wait3A_171 = arith.constant 0 : i32
        %dma_wait3A_172 = arith.constant 0 : i32
        %dma_wait3A_173 = tpu.memref_slice %arg14[%dma_wait3A_171, %dma_wait3A_172] : memref<5248x128xf32, #tpu.memory_space<vmem_shared>> -> memref<5248x128xf32, #tpu.memory_space<vmem_shared>>
        tpu.wait_indirect_dma semaphore(%run_scoped3A_161 : memref<!tpu.dma_semaphore, #tpu.memory_space<semaphore_mem>>) src(%arg9 : memref<128x128xf32, #tpu.memory_space<vmem>>) dst(%dma_wait3A_173 : memref<5248x128xf32, #tpu.memory_space<vmem_shared>>)
        tpu.yield
      }) : () -> ()
      %get3A_106 = arith.index_cast %mul3A_85 : i32 to index
      %get3A_107 = arith.constant 0 : index
      %get3A_108 = tpu.vector_load %arg8[%get3A_106, %get3A_107] {strides = array<i32>} : memref<157x128xi32, #tpu.memory_space<vmem>>, vector<16xi32>,
      tpu.vector_store_idx %arg11[%get3A_108], %broadcast_in_dim3A_2 {add = true} : memref<5248xf32, #tpu.memory_space<vmem>>[vector<16xi32>], vector<16xf32>,
      %get3A_109 = arith.index_cast %mul3A_85 : i32 to index
      %get3A_110 = arith.constant 16 : index
      %get3A_111 = tpu.vector_load %arg8[%get3A_109, %get3A_110] {strides = array<i32>} : memref<157x128xi32, #tpu.memory_space<vmem>>, vector<16xi32>,
      tpu.vector_store_idx %arg11[%get3A_111], %broadcast_in_dim3A_2 {add = true} : memref<5248xf32, #tpu.memory_space<vmem>>[vector<16xi32>], vector<16xf32>,
      %get3A_112 = arith.index_cast %mul3A_85 : i32 to index
      %get3A_113 = arith.constant 32 : index
      %get3A_114 = tpu.vector_load %arg8[%get3A_112, %get3A_113] {strides = array<i32>} : memref<157x128xi32, #tpu.memory_space<vmem>>, vector<16xi32>,
      tpu.vector_store_idx %arg11[%get3A_114], %broadcast_in_dim3A_2 {add = true} : memref<5248xf32, #tpu.memory_space<vmem>>[vector<16xi32>], vector<16xf32>,
      %get3A_115 = arith.index_cast %mul3A_85 : i32 to index
      %get3A_116 = arith.constant 48 : index
      %get3A_117 = tpu.vector_load %arg8[%get3A_115, %get3A_116] {strides = array<i32>} : memref<157x128xi32, #tpu.memory_space<vmem>>, vector<16xi32>,
      tpu.vector_store_idx %arg11[%get3A_117], %broadcast_in_dim3A_2 {add = true} : memref<5248xf32, #tpu.memory_space<vmem>>[vector<16xi32>], vector<16xf32>,
      %get3A_118 = arith.index_cast %mul3A_85 : i32 to index
      %get3A_119 = arith.constant 64 : index
      %get3A_120 = tpu.vector_load %arg8[%get3A_118, %get3A_119] {strides = array<i32>} : memref<157x128xi32, #tpu.memory_space<vmem>>, vector<16xi32>,
      tpu.vector_store_idx %arg11[%get3A_120], %broadcast_in_dim3A_2 {add = true} : memref<5248xf32, #tpu.memory_space<vmem>>[vector<16xi32>], vector<16xf32>,
      %get3A_121 = arith.index_cast %mul3A_85 : i32 to index
      %get3A_122 = arith.constant 80 : index
      %get3A_123 = tpu.vector_load %arg8[%get3A_121, %get3A_122] {strides = array<i32>} : memref<157x128xi32, #tpu.memory_space<vmem>>, vector<16xi32>,
      tpu.vector_store_idx %arg11[%get3A_123], %broadcast_in_dim3A_2 {add = true} : memref<5248xf32, #tpu.memory_space<vmem>>[vector<16xi32>], vector<16xf32>,
      %get3A_124 = arith.index_cast %mul3A_85 : i32 to index
      %get3A_125 = arith.constant 96 : index
      %get3A_126 = tpu.vector_load %arg8[%get3A_124, %get3A_125] {strides = array<i32>} : memref<157x128xi32, #tpu.memory_space<vmem>>, vector<16xi32>,
      tpu.vector_store_idx %arg11[%get3A_126], %broadcast_in_dim3A_2 {add = true} : memref<5248xf32, #tpu.memory_space<vmem>>[vector<16xi32>], vector<16xf32>,
      %get3A_127 = arith.index_cast %mul3A_85 : i32 to index
      %get3A_128 = arith.constant 112 : index
      %get3A_129 = tpu.vector_load %arg8[%get3A_127, %get3A_128] {strides = array<i32>} : memref<157x128xi32, #tpu.memory_space<vmem>>, vector<16xi32>,
      tpu.vector_store_idx %arg11[%get3A_129], %broadcast_in_dim3A_2 {add = true} : memref<5248xf32, #tpu.memory_space<vmem>>[vector<16xi32>], vector<16xf32>,
      %dma_wait3A_130 = arith.constant 0 : i32
      %dma_wait3A_131 = tpu.memref_slice %arg7[%add3A_87, %dma_wait3A_130] : memref<157x128xi32, #tpu.memory_space<vmem>> -> memref<1x128xi32, #tpu.memory_space<vmem>>
      %dma_wait3A_132 = tpu.memref_squeeze %dma_wait3A_131 : memref<1x128xi32, #tpu.memory_space<vmem>> -> memref<128xi32, #tpu.memory_space<vmem>>
      %dma_wait3A_133 = arith.constant 0 : i32
      %dma_wait3A_134 = arith.constant 0 : i32
      %dma_wait3A_135 = tpu.memref_slice %arg2[%dma_wait3A_133, %dma_wait3A_134] : memref<10000x128xf32, #tpu.memory_space<hbm>> -> memref<10000x128xf32, #tpu.memory_space<hbm>>
      tpu.wait_indirect_dma semaphore(%arg13 : memref<!tpu.dma_semaphore, #tpu.memory_space<semaphore_mem>>) src(%dma_wait3A_135 : memref<10000x128xf32, #tpu.memory_space<hbm>>) dst(%arg10 : memref<128x128xf32, #tpu.memory_space<vmem>>)
      "tpu.region"() ({
        %run_scoped3A_161 = tpu.sem_alloc : memref<!tpu.dma_semaphore, #tpu.memory_space<semaphore_mem>>
        %dma_start3A_162 = arith.constant 0 : i32
        %dma_start3A_163 = tpu.memref_slice %arg8[%add3A_87, %dma_start3A_162] : memref<157x128xi32, #tpu.memory_space<vmem>> -> memref<1x128xi32, #tpu.memory_space<vmem>>
        %dma_start3A_164 = tpu.memref_squeeze %dma_start3A_163 : memref<1x128xi32, #tpu.memory_space<vmem>> -> memref<128xi32, #tpu.memory_space<vmem>>
        %dma_start3A_165 = arith.constant 0 : i32
        %dma_start3A_166 = arith.constant 0 : i32
        %dma_start3A_167 = tpu.memref_slice %arg14[%dma_start3A_165, %dma_start3A_166] : memref<5248x128xf32, #tpu.memory_space<vmem_shared>> -> memref<5248x128xf32, #tpu.memory_space<vmem_shared>>
        tpu.enqueue_indirect_dma source(%arg10 : memref<128x128xf32, #tpu.memory_space<vmem>>) target(%dma_start3A_167 : memref<5248x128xf32, #tpu.memory_space<vmem_shared>>) offsets(%dma_start3A_164 : memref<128xi32, #tpu.memory_space<vmem>>) semaphore(%run_scoped3A_161 : memref<!tpu.dma_semaphore, #tpu.memory_space<semaphore_mem>>) {add = true}
        %dma_wait3A_168 = arith.constant 0 : i32
        %dma_wait3A_169 = tpu.memref_slice %arg8[%add3A_87, %dma_wait3A_168] : memref<157x128xi32, #tpu.memory_space<vmem>> -> memref<1x128xi32, #tpu.memory_space<vmem>>
        %dma_wait3A_170 = tpu.memref_squeeze %dma_wait3A_169 : memref<1x128xi32, #tpu.memory_space<vmem>> -> memref<128xi32, #tpu.memory_space<vmem>>
        %dma_wait3A_171 = arith.constant 0 : i32
        %dma_wait3A_172 = arith.constant 0 : i32
        %dma_wait3A_173 = tpu.memref_slice %arg14[%dma_wait3A_171, %dma_wait3A_172] : memref<5248x128xf32, #tpu.memory_space<vmem_shared>> -> memref<5248x128xf32, #tpu.memory_space<vmem_shared>>
        tpu.wait_indirect_dma semaphore(%run_scoped3A_161 : memref<!tpu.dma_semaphore, #tpu.memory_space<semaphore_mem>>) src(%arg10 : memref<128x128xf32, #tpu.memory_space<vmem>>) dst(%dma_wait3A_173 : memref<5248x128xf32, #tpu.memory_space<vmem_shared>>)
        tpu.yield
      }) : () -> ()
      %get3A_136 = arith.index_cast %add3A_87 : i32 to index
      %get3A_137 = arith.constant 0 : index
      %get3A_138 = tpu.vector_load %arg8[%get3A_136, %get3A_137] {strides = array<i32>} : memref<157x128xi32, #tpu.memory_space<vmem>>, vector<16xi32>,
      tpu.vector_store_idx %arg11[%get3A_138], %broadcast_in_dim3A_2 {add = true} : memref<5248xf32, #tpu.memory_space<vmem>>[vector<16xi32>], vector<16xf32>,
      %get3A_139 = arith.index_cast %add3A_87 : i32 to index
      %get3A_140 = arith.constant 16 : index
      %get3A_141 = tpu.vector_load %arg8[%get3A_139, %get3A_140] {strides = array<i32>} : memref<157x128xi32, #tpu.memory_space<vmem>>, vector<16xi32>,
      tpu.vector_store_idx %arg11[%get3A_141], %broadcast_in_dim3A_2 {add = true} : memref<5248xf32, #tpu.memory_space<vmem>>[vector<16xi32>], vector<16xf32>,
      %get3A_142 = arith.index_cast %add3A_87 : i32 to index
      %get3A_143 = arith.constant 32 : index
      %get3A_144 = tpu.vector_load %arg8[%get3A_142, %get3A_143] {strides = array<i32>} : memref<157x128xi32, #tpu.memory_space<vmem>>, vector<16xi32>,
      tpu.vector_store_idx %arg11[%get3A_144], %broadcast_in_dim3A_2 {add = true} : memref<5248xf32, #tpu.memory_space<vmem>>[vector<16xi32>], vector<16xf32>,
      %get3A_145 = arith.index_cast %add3A_87 : i32 to index
      %get3A_146 = arith.constant 48 : index
      %get3A_147 = tpu.vector_load %arg8[%get3A_145, %get3A_146] {strides = array<i32>} : memref<157x128xi32, #tpu.memory_space<vmem>>, vector<16xi32>,
      tpu.vector_store_idx %arg11[%get3A_147], %broadcast_in_dim3A_2 {add = true} : memref<5248xf32, #tpu.memory_space<vmem>>[vector<16xi32>], vector<16xf32>,
      %get3A_148 = arith.index_cast %add3A_87 : i32 to index
      %get3A_149 = arith.constant 64 : index
      %get3A_150 = tpu.vector_load %arg8[%get3A_148, %get3A_149] {strides = array<i32>} : memref<157x128xi32, #tpu.memory_space<vmem>>, vector<16xi32>,
      tpu.vector_store_idx %arg11[%get3A_150], %broadcast_in_dim3A_2 {add = true} : memref<5248xf32, #tpu.memory_space<vmem>>[vector<16xi32>], vector<16xf32>,
      %get3A_151 = arith.index_cast %add3A_87 : i32 to index
      %get3A_152 = arith.constant 80 : index
      %get3A_153 = tpu.vector_load %arg8[%get3A_151, %get3A_152] {strides = array<i32>} : memref<157x128xi32, #tpu.memory_space<vmem>>, vector<16xi32>,
      tpu.vector_store_idx %arg11[%get3A_153], %broadcast_in_dim3A_2 {add = true} : memref<5248xf32, #tpu.memory_space<vmem>>[vector<16xi32>], vector<16xf32>,
      %get3A_154 = arith.index_cast %add3A_87 : i32 to index
      %get3A_155 = arith.constant 96 : index
      %get3A_156 = tpu.vector_load %arg8[%get3A_154, %get3A_155] {strides = array<i32>} : memref<157x128xi32, #tpu.memory_space<vmem>>, vector<16xi32>,
      tpu.vector_store_idx %arg11[%get3A_156], %broadcast_in_dim3A_2 {add = true} : memref<5248xf32, #tpu.memory_space<vmem>>[vector<16xi32>], vector<16xf32>,
      %get3A_157 = arith.index_cast %add3A_87 : i32 to index
      %get3A_158 = arith.constant 112 : index
      %get3A_159 = tpu.vector_load %arg8[%get3A_157, %get3A_158] {strides = array<i32>} : memref<157x128xi32, #tpu.memory_space<vmem>>, vector<16xi32>,
      tpu.vector_store_idx %arg11[%get3A_159], %broadcast_in_dim3A_2 {add = true} : memref<5248xf32, #tpu.memory_space<vmem>>[vector<16xi32>], vector<16xf32>,
      %scan3A_160 = arith.constant 0 : i32
      scf.yield %scan3A_160 : i32
    }
    %scan3A_37 = arith.constant 78 : i32
    %dma_start3A = arith.constant 156 : i32
    %dma_start3A_38 = arith.constant 0 : i32
    %dma_start3A_39 = tpu.memref_slice %arg7[%dma_start3A, %dma_start3A_38] : memref<157x128xi32, #tpu.memory_space<vmem>> -> memref<1x128xi32, #tpu.memory_space<vmem>>
    %dma_start3A_40 = tpu.memref_squeeze %dma_start3A_39 : memref<1x128xi32, #tpu.memory_space<vmem>> -> memref<128xi32, #tpu.memory_space<vmem>>
    %dma_start3A_41 = arith.constant 0 : i32
    %dma_start3A_42 = arith.constant 0 : i32
    %dma_start3A_43 = tpu.memref_slice %arg2[%dma_start3A_41, %dma_start3A_42] : memref<10000x128xf32, #tpu.memory_space<hbm>> -> memref<10000x128xf32, #tpu.memory_space<hbm>>
    tpu.enqueue_indirect_dma source(%dma_start3A_43 : memref<10000x128xf32, #tpu.memory_space<hbm>>) target(%arg9 : memref<128x128xf32, #tpu.memory_space<vmem>>) offsets(%dma_start3A_40 : memref<128xi32, #tpu.memory_space<vmem>>) semaphore(%arg12 : memref<!tpu.dma_semaphore, #tpu.memory_space<semaphore_mem>>)
    %dma_wait3A = arith.constant 156 : i32
    %dma_wait3A_44 = arith.constant 0 : i32
    %dma_wait3A_45 = tpu.memref_slice %arg7[%dma_wait3A, %dma_wait3A_44] : memref<157x128xi32, #tpu.memory_space<vmem>> -> memref<1x128xi32, #tpu.memory_space<vmem>>
    %dma_wait3A_46 = tpu.memref_squeeze %dma_wait3A_45 : memref<1x128xi32, #tpu.memory_space<vmem>> -> memref<128xi32, #tpu.memory_space<vmem>>
    %dma_wait3A_47 = arith.constant 0 : i32
    %dma_wait3A_48 = arith.constant 0 : i32
    %dma_wait3A_49 = tpu.memref_slice %arg2[%dma_wait3A_47, %dma_wait3A_48] : memref<10000x128xf32, #tpu.memory_space<hbm>> -> memref<10000x128xf32, #tpu.memory_space<hbm>>
    tpu.wait_indirect_dma semaphore(%arg12 : memref<!tpu.dma_semaphore, #tpu.memory_space<semaphore_mem>>) src(%dma_wait3A_49 : memref<10000x128xf32, #tpu.memory_space<hbm>>) dst(%arg9 : memref<128x128xf32, #tpu.memory_space<vmem>>)
    %run_scoped3A = arith.constant 156 : i32
    "tpu.region"() ({
      %run_scoped3A_82 = tpu.sem_alloc : memref<!tpu.dma_semaphore, #tpu.memory_space<semaphore_mem>>
      %dma_start3A_83 = arith.constant 0 : i32
      %dma_start3A_84 = tpu.memref_slice %arg8[%run_scoped3A, %dma_start3A_83] : memref<157x128xi32, #tpu.memory_space<vmem>> -> memref<1x128xi32, #tpu.memory_space<vmem>>
      %dma_start3A_85 = tpu.memref_squeeze %dma_start3A_84 : memref<1x128xi32, #tpu.memory_space<vmem>> -> memref<128xi32, #tpu.memory_space<vmem>>
      %dma_start3A_86 = arith.constant 0 : i32
      %dma_start3A_87 = arith.constant 0 : i32
      %dma_start3A_88 = tpu.memref_slice %arg14[%dma_start3A_86, %dma_start3A_87] : memref<5248x128xf32, #tpu.memory_space<vmem_shared>> -> memref<5248x128xf32, #tpu.memory_space<vmem_shared>>
      tpu.enqueue_indirect_dma source(%arg9 : memref<128x128xf32, #tpu.memory_space<vmem>>) target(%dma_start3A_88 : memref<5248x128xf32, #tpu.memory_space<vmem_shared>>) offsets(%dma_start3A_85 : memref<128xi32, #tpu.memory_space<vmem>>) semaphore(%run_scoped3A_82 : memref<!tpu.dma_semaphore, #tpu.memory_space<semaphore_mem>>) {add = true}
      %dma_wait3A_89 = arith.constant 0 : i32
      %dma_wait3A_90 = tpu.memref_slice %arg8[%run_scoped3A, %dma_wait3A_89] : memref<157x128xi32, #tpu.memory_space<vmem>> -> memref<1x128xi32, #tpu.memory_space<vmem>>
      %dma_wait3A_91 = tpu.memref_squeeze %dma_wait3A_90 : memref<1x128xi32, #tpu.memory_space<vmem>> -> memref<128xi32, #tpu.memory_space<vmem>>
      %dma_wait3A_92 = arith.constant 0 : i32
      %dma_wait3A_93 = arith.constant 0 : i32
      %dma_wait3A_94 = tpu.memref_slice %arg14[%dma_wait3A_92, %dma_wait3A_93] : memref<5248x128xf32, #tpu.memory_space<vmem_shared>> -> memref<5248x128xf32, #tpu.memory_space<vmem_shared>>
      tpu.wait_indirect_dma semaphore(%run_scoped3A_82 : memref<!tpu.dma_semaphore, #tpu.memory_space<semaphore_mem>>) src(%arg9 : memref<128x128xf32, #tpu.memory_space<vmem>>) dst(%dma_wait3A_94 : memref<5248x128xf32, #tpu.memory_space<vmem_shared>>)
      tpu.yield
    }) : () -> ()
    %get3A = arith.constant 156 : i32
    %get3A_50 = arith.index_cast %get3A : i32 to index
    %get3A_51 = arith.constant 0 : index
    %get3A_52 = tpu.vector_load %arg8[%get3A_50, %get3A_51] {strides = array<i32>} : memref<157x128xi32, #tpu.memory_space<vmem>>, vector<16xi32>,
    tpu.vector_store_idx %arg11[%get3A_52], %broadcast_in_dim3A_2 {add = true} : memref<5248xf32, #tpu.memory_space<vmem>>[vector<16xi32>], vector<16xf32>,
    %get3A_53 = arith.constant 156 : i32
    %get3A_54 = arith.index_cast %get3A_53 : i32 to index
    %get3A_55 = arith.constant 16 : index
    %get3A_56 = tpu.vector_load %arg8[%get3A_54, %get3A_55] {strides = array<i32>} : memref<157x128xi32, #tpu.memory_space<vmem>>, vector<16xi32>,
    tpu.vector_store_idx %arg11[%get3A_56], %broadcast_in_dim3A_2 {add = true} : memref<5248xf32, #tpu.memory_space<vmem>>[vector<16xi32>], vector<16xf32>,
    %get3A_57 = arith.constant 156 : i32
    %get3A_58 = arith.index_cast %get3A_57 : i32 to index
    %get3A_59 = arith.constant 32 : index
    %get3A_60 = tpu.vector_load %arg8[%get3A_58, %get3A_59] {strides = array<i32>} : memref<157x128xi32, #tpu.memory_space<vmem>>, vector<16xi32>,
    tpu.vector_store_idx %arg11[%get3A_60], %broadcast_in_dim3A_2 {add = true} : memref<5248xf32, #tpu.memory_space<vmem>>[vector<16xi32>], vector<16xf32>,
    %get3A_61 = arith.constant 156 : i32
    %get3A_62 = arith.index_cast %get3A_61 : i32 to index
    %get3A_63 = arith.constant 48 : index
    %get3A_64 = tpu.vector_load %arg8[%get3A_62, %get3A_63] {strides = array<i32>} : memref<157x128xi32, #tpu.memory_space<vmem>>, vector<16xi32>,
    tpu.vector_store_idx %arg11[%get3A_64], %broadcast_in_dim3A_2 {add = true} : memref<5248xf32, #tpu.memory_space<vmem>>[vector<16xi32>], vector<16xf32>,
    %get3A_65 = arith.constant 156 : i32
    %get3A_66 = arith.index_cast %get3A_65 : i32 to index
    %get3A_67 = arith.constant 64 : index
    %get3A_68 = tpu.vector_load %arg8[%get3A_66, %get3A_67] {strides = array<i32>} : memref<157x128xi32, #tpu.memory_space<vmem>>, vector<16xi32>,
    tpu.vector_store_idx %arg11[%get3A_68], %broadcast_in_dim3A_2 {add = true} : memref<5248xf32, #tpu.memory_space<vmem>>[vector<16xi32>], vector<16xf32>,
    %get3A_69 = arith.constant 156 : i32
    %get3A_70 = arith.index_cast %get3A_69 : i32 to index
    %get3A_71 = arith.constant 80 : index
    %get3A_72 = tpu.vector_load %arg8[%get3A_70, %get3A_71] {strides = array<i32>} : memref<157x128xi32, #tpu.memory_space<vmem>>, vector<16xi32>,
    tpu.vector_store_idx %arg11[%get3A_72], %broadcast_in_dim3A_2 {add = true} : memref<5248xf32, #tpu.memory_space<vmem>>[vector<16xi32>], vector<16xf32>,
    %get3A_73 = arith.constant 156 : i32
    %get3A_74 = arith.index_cast %get3A_73 : i32 to index
    %get3A_75 = arith.constant 96 : index
    %get3A_76 = tpu.vector_load %arg8[%get3A_74, %get3A_75] {strides = array<i32>} : memref<157x128xi32, #tpu.memory_space<vmem>>, vector<16xi32>,
    tpu.vector_store_idx %arg11[%get3A_76], %broadcast_in_dim3A_2 {add = true} : memref<5248xf32, #tpu.memory_space<vmem>>[vector<16xi32>], vector<16xf32>,
    %get3A_77 = arith.constant 156 : i32
    %get3A_78 = arith.index_cast %get3A_77 : i32 to index
    %get3A_79 = arith.constant 112 : index
    %get3A_80 = tpu.vector_load %arg8[%get3A_78, %get3A_79] {strides = array<i32>} : memref<157x128xi32, #tpu.memory_space<vmem>>, vector<16xi32>,
    tpu.vector_store_idx %arg11[%get3A_80], %broadcast_in_dim3A_2 {add = true} : memref<5248xf32, #tpu.memory_space<vmem>>[vector<16xi32>], vector<16xf32>,
    %barrier3A_81 = arith.constant 0 : index
    tpu.barrier barrier_id(%barrier3A_81)
    "tpu.region"() ({
      %run_scoped3A_82 = tpu.sem_alloc : memref<!tpu.dma_semaphore, #tpu.memory_space<semaphore_mem>>
      %dma_start3A_83 = arith.constant 0 : i32
      %dma_start3A_84 = tpu.memref_slice %arg5[%arg0, %mul3A_16, %dma_start3A_83] : memref<2x5248x128xf32, #tpu.memory_space<hbm>> -> memref<1x328x128xf32, #tpu.memory_space<hbm>>
      %dma_start3A_85 = tpu.memref_squeeze %dma_start3A_84 : memref<1x328x128xf32, #tpu.memory_space<hbm>> -> memref<328x128xf32, #tpu.memory_space<hbm>>
      %dma_start3A_86 = arith.constant 0 : i32
      %dma_start3A_87 = tpu.memref_slice %arg14[%mul3A_16, %dma_start3A_86] : memref<5248x128xf32, #tpu.memory_space<vmem_shared>> -> memref<328x128xf32, #tpu.memory_space<vmem_shared>>
      tpu.enqueue_dma source(%dma_start3A_87 : memref<328x128xf32, #tpu.memory_space<vmem_shared>>) target(%dma_start3A_85 : memref<328x128xf32, #tpu.memory_space<hbm>>) target_semaphore(%run_scoped3A_82 : memref<!tpu.dma_semaphore, #tpu.memory_space<semaphore_mem>>)
      %dma_wait3A_88 = arith.constant 0 : i32
      %dma_wait3A_89 = tpu.memref_slice %arg5[%arg0, %mul3A_16, %dma_wait3A_88] : memref<2x5248x128xf32, #tpu.memory_space<hbm>> -> memref<1x328x128xf32, #tpu.memory_space<hbm>>
      %dma_wait3A_90 = tpu.memref_squeeze %dma_wait3A_89 : memref<1x328x128xf32, #tpu.memory_space<hbm>> -> memref<328x128xf32, #tpu.memory_space<hbm>>
      %dma_wait3A_91 = arith.constant 0 : i32
      %dma_wait3A_92 = tpu.memref_slice %arg14[%mul3A_16, %dma_wait3A_91] : memref<5248x128xf32, #tpu.memory_space<vmem_shared>> -> memref<328x128xf32, #tpu.memory_space<vmem_shared>>
      tpu.wait_dma2 semaphore(%run_scoped3A_82 : memref<!tpu.dma_semaphore, #tpu.memory_space<semaphore_mem>>) src(%dma_wait3A_92 : memref<328x128xf32, #tpu.memory_space<vmem_shared>>) dst(%dma_wait3A_90 : memref<328x128xf32, #tpu.memory_space<hbm>>)
      tpu.yield
    }) : () -> ()
    "tpu.region"() ({
      %run_scoped3A_82 = tpu.sem_alloc : memref<!tpu.dma_semaphore, #tpu.memory_space<semaphore_mem>>
      %dma_start3A_83 = arith.constant 0 : i32
      %dma_start3A_84 = tpu.memref_slice %arg6[%arg0, %arg1, %dma_start3A_83] : memref<2x16x5248xf32, #tpu.memory_space<hbm>> -> memref<1x1x5248xf32, #tpu.memory_space<hbm>>
      %dma_start3A_85 = tpu.memref_squeeze %dma_start3A_84 : memref<1x1x5248xf32, #tpu.memory_space<hbm>> -> memref<5248xf32, #tpu.memory_space<hbm>>
      %dma_start3A_86 = arith.constant 0 : i32
      %dma_start3A_87 = tpu.memref_slice %arg6[%arg0, %arg1, %dma_start3A_86] : memref<2x16x5248xf32, #tpu.memory_space<hbm>> -> memref<1x1x5248xf32, #tpu.memory_space<hbm>>
      %dma_start3A_88 = tpu.memref_squeeze %dma_start3A_87 : memref<1x1x5248xf32, #tpu.memory_space<hbm>> -> memref<5248xf32, #tpu.memory_space<hbm>>
      tpu.enqueue_dma source(%arg11 : memref<5248xf32, #tpu.memory_space<vmem>>) target(%dma_start3A_88 : memref<5248xf32, #tpu.memory_space<hbm>>) target_semaphore(%run_scoped3A_82 : memref<!tpu.dma_semaphore, #tpu.memory_space<semaphore_mem>>)
      %dma_wait3A_89 = arith.constant 0 : i32
      %dma_wait3A_90 = tpu.memref_slice %arg6[%arg0, %arg1, %dma_wait3A_89] : memref<2x16x5248xf32, #tpu.memory_space<hbm>> -> memref<1x1x5248xf32, #tpu.memory_space<hbm>>
      %dma_wait3A_91 = tpu.memref_squeeze %dma_wait3A_90 : memref<1x1x5248xf32, #tpu.memory_space<hbm>> -> memref<5248xf32, #tpu.memory_space<hbm>>
      %dma_wait3A_92 = arith.constant 0 : i32
      %dma_wait3A_93 = tpu.memref_slice %arg6[%arg0, %arg1, %dma_wait3A_92] : memref<2x16x5248xf32, #tpu.memory_space<hbm>> -> memref<1x1x5248xf32, #tpu.memory_space<hbm>>
      %dma_wait3A_94 = tpu.memref_squeeze %dma_wait3A_93 : memref<1x1x5248xf32, #tpu.memory_space<hbm>> -> memref<5248xf32, #tpu.memory_space<hbm>>
      tpu.wait_dma2 semaphore(%run_scoped3A_82 : memref<!tpu.dma_semaphore, #tpu.memory_space<semaphore_mem>>) src(%arg11 : memref<5248xf32, #tpu.memory_space<vmem>>) dst(%dma_wait3A_94 : memref<5248xf32, #tpu.memory_space<hbm>>)
      tpu.yield
    }) : () -> ()
    return
  }
}

#map = affine_map<(d0, d1) -> (0, 0)>
#map1 = affine_map<(d0, d1) -> (0, 0, 0)>
module attributes {stable_mosaic.version = 14 : i64} {
  func.func @_sc_body(%arg0: i32, %arg1: i32, %arg2: memref<10000x128xf32, #tpu.memory_space<hbm>>, %arg3: memref<16x157x128xi32, #tpu.memory_space<hbm>>, %arg4: memref<16x157x128xi32, #tpu.memory_space<hbm>>, %arg5: memref<2x5248x128xf32, #tpu.memory_space<hbm>>, %arg6: memref<157x128xi32, #tpu.memory_space<vmem>>, %arg7: memref<157x128xi32, #tpu.memory_space<vmem>>, %arg8: memref<128x128xf32, #tpu.memory_space<vmem>>, %arg9: memref<128x128xf32, #tpu.memory_space<vmem>>, %arg10: memref<!tpu.dma_semaphore, #tpu.memory_space<semaphore_mem>>, %arg11: memref<!tpu.dma_semaphore, #tpu.memory_space<semaphore_mem>>, %arg12: memref<5248x128xf32, #tpu.memory_space<vmem_shared>>) attributes {dimension_semantics = [#tpu.dimension_semantics<core_parallel>, #tpu.dimension_semantics<subcore_parallel>], iteration_bounds = array<i64: 2, 16>, scalar_prefetch = 0 : i64, scratch_operands = 7 : i64, tpu.core_type = #tpu.core_type<sc_vector_subcore>, window_params = [{transform_indices = #map}, {transform_indices = #map1}, {transform_indices = #map1}, {transform_indices = #map1}]} {
    %broadcast_in_dim3A = arith.constant 0.000000e+00 : f32
    %broadcast_in_dim3A_0 = vector.broadcast %broadcast_in_dim3A : f32 to vector<16xf32>
    %broadcast_in_dim3A_1 = arith.constant 1.000000e+00 : f32
    %broadcast_in_dim3A_2 = vector.broadcast %broadcast_in_dim3A_1 : f32 to vector<16xf32>
    %scan3A = arith.constant 0 : i32
    %scan3A_3 = arith.constant 0 : i32
    %scan3A_4 = arith.constant 128 : i32
    %scan3A_5 = arith.addi %scan3A_3, %scan3A_4 : i32
    %scan3A_6 = arith.constant 1 : i32
    %scan3A_7 = scf.for %scan3A_44 = %scan3A_3 to %scan3A_5 step %scan3A_6 iter_args(%scan3A_45 = %scan3A) -> (i32)  : i32 {
      %swap3A = arith.index_cast %scan3A_44 : i32 to index
      %swap3A_46 = arith.constant 0 : index
      %swap3A_47 = tpu.vector_load %arg8[%swap3A, %swap3A_46] {strides = array<i32>} : memref<128x128xf32, #tpu.memory_space<vmem>>, vector<16xf32>,
      tpu.vector_store %arg8[%swap3A, %swap3A_46], %broadcast_in_dim3A_0 {strides = array<i32>} : memref<128x128xf32, #tpu.memory_space<vmem>>, vector<16xf32>,
      %swap3A_48 = arith.index_cast %scan3A_44 : i32 to index
      %swap3A_49 = arith.constant 16 : index
      %swap3A_50 = tpu.vector_load %arg8[%swap3A_48, %swap3A_49] {strides = array<i32>} : memref<128x128xf32, #tpu.memory_space<vmem>>, vector<16xf32>,
      tpu.vector_store %arg8[%swap3A_48, %swap3A_49], %broadcast_in_dim3A_0 {strides = array<i32>} : memref<128x128xf32, #tpu.memory_space<vmem>>, vector<16xf32>,
      %swap3A_51 = arith.index_cast %scan3A_44 : i32 to index
      %swap3A_52 = arith.constant 32 : index
      %swap3A_53 = tpu.vector_load %arg8[%swap3A_51, %swap3A_52] {strides = array<i32>} : memref<128x128xf32, #tpu.memory_space<vmem>>, vector<16xf32>,
      tpu.vector_store %arg8[%swap3A_51, %swap3A_52], %broadcast_in_dim3A_0 {strides = array<i32>} : memref<128x128xf32, #tpu.memory_space<vmem>>, vector<16xf32>,
      %swap3A_54 = arith.index_cast %scan3A_44 : i32 to index
      %swap3A_55 = arith.constant 48 : index
      %swap3A_56 = tpu.vector_load %arg8[%swap3A_54, %swap3A_55] {strides = array<i32>} : memref<128x128xf32, #tpu.memory_space<vmem>>, vector<16xf32>,
      tpu.vector_store %arg8[%swap3A_54, %swap3A_55], %broadcast_in_dim3A_0 {strides = array<i32>} : memref<128x128xf32, #tpu.memory_space<vmem>>, vector<16xf32>,
      %swap3A_57 = arith.index_cast %scan3A_44 : i32 to index
      %swap3A_58 = arith.constant 64 : index
      %swap3A_59 = tpu.vector_load %arg8[%swap3A_57, %swap3A_58] {strides = array<i32>} : memref<128x128xf32, #tpu.memory_space<vmem>>, vector<16xf32>,
      tpu.vector_store %arg8[%swap3A_57, %swap3A_58], %broadcast_in_dim3A_0 {strides = array<i32>} : memref<128x128xf32, #tpu.memory_space<vmem>>, vector<16xf32>,
      %swap3A_60 = arith.index_cast %scan3A_44 : i32 to index
      %swap3A_61 = arith.constant 80 : index
      %swap3A_62 = tpu.vector_load %arg8[%swap3A_60, %swap3A_61] {strides = array<i32>} : memref<128x128xf32, #tpu.memory_space<vmem>>, vector<16xf32>,
      tpu.vector_store %arg8[%swap3A_60, %swap3A_61], %broadcast_in_dim3A_0 {strides = array<i32>} : memref<128x128xf32, #tpu.memory_space<vmem>>, vector<16xf32>,
      %swap3A_63 = arith.index_cast %scan3A_44 : i32 to index
      %swap3A_64 = arith.constant 96 : index
      %swap3A_65 = tpu.vector_load %arg8[%swap3A_63, %swap3A_64] {strides = array<i32>} : memref<128x128xf32, #tpu.memory_space<vmem>>, vector<16xf32>,
      tpu.vector_store %arg8[%swap3A_63, %swap3A_64], %broadcast_in_dim3A_0 {strides = array<i32>} : memref<128x128xf32, #tpu.memory_space<vmem>>, vector<16xf32>,
      %swap3A_66 = arith.index_cast %scan3A_44 : i32 to index
      %swap3A_67 = arith.constant 112 : index
      %swap3A_68 = tpu.vector_load %arg8[%swap3A_66, %swap3A_67] {strides = array<i32>} : memref<128x128xf32, #tpu.memory_space<vmem>>, vector<16xf32>,
      tpu.vector_store %arg8[%swap3A_66, %swap3A_67], %broadcast_in_dim3A_0 {strides = array<i32>} : memref<128x128xf32, #tpu.memory_space<vmem>>, vector<16xf32>,
      %scan3A_69 = arith.constant 0 : i32
      scf.yield %scan3A_69 : i32
    }
    %scan3A_8 = arith.constant 128 : i32
    %mul3A = arith.constant 328 : i32
    %mul3A_9 = arith.muli %arg1, %mul3A : i32
    %add3A = arith.constant 0 : i32
    %add3A_10 = arith.addi %mul3A_9, %add3A : i32
    "tpu.region"() ({
      %run_scoped3A_44 = tpu.sem_alloc : memref<!tpu.dma_semaphore, #tpu.memory_space<semaphore_mem>>
      %dma_start3A_45 = arith.constant 0 : i32
      %dma_start3A_46 = arith.constant 0 : i32
      %dma_start3A_47 = tpu.memref_slice %arg8[%dma_start3A_45, %dma_start3A_46] : memref<128x128xf32, #tpu.memory_space<vmem>> -> memref<128x128xf32, #tpu.memory_space<vmem>>
      %dma_start3A_48 = arith.constant 0 : i32
      %dma_start3A_49 = tpu.memref_slice %arg12[%add3A_10, %dma_start3A_48] : memref<5248x128xf32, #tpu.memory_space<vmem_shared>> -> memref<128x128xf32, #tpu.memory_space<vmem_shared>>
      %dma_start3A_50 = arith.constant 0 : i32
      %dma_start3A_51 = tpu.memref_slice %arg12[%add3A_10, %dma_start3A_50] : memref<5248x128xf32, #tpu.memory_space<vmem_shared>> -> memref<128x128xf32, #tpu.memory_space<vmem_shared>>
      %dma_start3A_52 = arith.constant 0 : i32
      %dma_start3A_53 = arith.constant 0 : i32
      %dma_start3A_54 = tpu.memref_slice %arg8[%dma_start3A_52, %dma_start3A_53] : memref<128x128xf32, #tpu.memory_space<vmem>> -> memref<128x128xf32, #tpu.memory_space<vmem>>
      tpu.enqueue_dma source(%dma_start3A_54 : memref<128x128xf32, #tpu.memory_space<vmem>>) target(%dma_start3A_51 : memref<128x128xf32, #tpu.memory_space<vmem_shared>>) target_semaphore(%run_scoped3A_44 : memref<!tpu.dma_semaphore, #tpu.memory_space<semaphore_mem>>)
      %dma_wait3A_55 = arith.constant 0 : i32
      %dma_wait3A_56 = arith.constant 0 : i32
      %dma_wait3A_57 = tpu.memref_slice %arg8[%dma_wait3A_55, %dma_wait3A_56] : memref<128x128xf32, #tpu.memory_space<vmem>> -> memref<128x128xf32, #tpu.memory_space<vmem>>
      %dma_wait3A_58 = arith.constant 0 : i32
      %dma_wait3A_59 = tpu.memref_slice %arg12[%add3A_10, %dma_wait3A_58] : memref<5248x128xf32, #tpu.memory_space<vmem_shared>> -> memref<128x128xf32, #tpu.memory_space<vmem_shared>>
      %dma_wait3A_60 = arith.constant 0 : i32
      %dma_wait3A_61 = tpu.memref_slice %arg12[%add3A_10, %dma_wait3A_60] : memref<5248x128xf32, #tpu.memory_space<vmem_shared>> -> memref<128x128xf32, #tpu.memory_space<vmem_shared>>
      %dma_wait3A_62 = arith.constant 0 : i32
      %dma_wait3A_63 = arith.constant 0 : i32
      %dma_wait3A_64 = tpu.memref_slice %arg8[%dma_wait3A_62, %dma_wait3A_63] : memref<128x128xf32, #tpu.memory_space<vmem>> -> memref<128x128xf32, #tpu.memory_space<vmem>>
      tpu.wait_dma2 semaphore(%run_scoped3A_44 : memref<!tpu.dma_semaphore, #tpu.memory_space<semaphore_mem>>) src(%dma_wait3A_64 : memref<128x128xf32, #tpu.memory_space<vmem>>) dst(%dma_wait3A_61 : memref<128x128xf32, #tpu.memory_space<vmem_shared>>)
      tpu.yield
    }) : () -> ()
    %add3A_11 = arith.constant 128 : i32
    %add3A_12 = arith.addi %mul3A_9, %add3A_11 : i32
    "tpu.region"() ({
      %run_scoped3A_44 = tpu.sem_alloc : memref<!tpu.dma_semaphore, #tpu.memory_space<semaphore_mem>>
      %dma_start3A_45 = arith.constant 0 : i32
      %dma_start3A_46 = arith.constant 0 : i32
      %dma_start3A_47 = tpu.memref_slice %arg8[%dma_start3A_45, %dma_start3A_46] : memref<128x128xf32, #tpu.memory_space<vmem>> -> memref<128x128xf32, #tpu.memory_space<vmem>>
      %dma_start3A_48 = arith.constant 0 : i32
      %dma_start3A_49 = tpu.memref_slice %arg12[%add3A_12, %dma_start3A_48] : memref<5248x128xf32, #tpu.memory_space<vmem_shared>> -> memref<128x128xf32, #tpu.memory_space<vmem_shared>>
      %dma_start3A_50 = arith.constant 0 : i32
      %dma_start3A_51 = tpu.memref_slice %arg12[%add3A_12, %dma_start3A_50] : memref<5248x128xf32, #tpu.memory_space<vmem_shared>> -> memref<128x128xf32, #tpu.memory_space<vmem_shared>>
      %dma_start3A_52 = arith.constant 0 : i32
      %dma_start3A_53 = arith.constant 0 : i32
      %dma_start3A_54 = tpu.memref_slice %arg8[%dma_start3A_52, %dma_start3A_53] : memref<128x128xf32, #tpu.memory_space<vmem>> -> memref<128x128xf32, #tpu.memory_space<vmem>>
      tpu.enqueue_dma source(%dma_start3A_54 : memref<128x128xf32, #tpu.memory_space<vmem>>) target(%dma_start3A_51 : memref<128x128xf32, #tpu.memory_space<vmem_shared>>) target_semaphore(%run_scoped3A_44 : memref<!tpu.dma_semaphore, #tpu.memory_space<semaphore_mem>>)
      %dma_wait3A_55 = arith.constant 0 : i32
      %dma_wait3A_56 = arith.constant 0 : i32
      %dma_wait3A_57 = tpu.memref_slice %arg8[%dma_wait3A_55, %dma_wait3A_56] : memref<128x128xf32, #tpu.memory_space<vmem>> -> memref<128x128xf32, #tpu.memory_space<vmem>>
      %dma_wait3A_58 = arith.constant 0 : i32
      %dma_wait3A_59 = tpu.memref_slice %arg12[%add3A_12, %dma_wait3A_58] : memref<5248x128xf32, #tpu.memory_space<vmem_shared>> -> memref<128x128xf32, #tpu.memory_space<vmem_shared>>
      %dma_wait3A_60 = arith.constant 0 : i32
      %dma_wait3A_61 = tpu.memref_slice %arg12[%add3A_12, %dma_wait3A_60] : memref<5248x128xf32, #tpu.memory_space<vmem_shared>> -> memref<128x128xf32, #tpu.memory_space<vmem_shared>>
      %dma_wait3A_62 = arith.constant 0 : i32
      %dma_wait3A_63 = arith.constant 0 : i32
      %dma_wait3A_64 = tpu.memref_slice %arg8[%dma_wait3A_62, %dma_wait3A_63] : memref<128x128xf32, #tpu.memory_space<vmem>> -> memref<128x128xf32, #tpu.memory_space<vmem>>
      tpu.wait_dma2 semaphore(%run_scoped3A_44 : memref<!tpu.dma_semaphore, #tpu.memory_space<semaphore_mem>>) src(%dma_wait3A_64 : memref<128x128xf32, #tpu.memory_space<vmem>>) dst(%dma_wait3A_61 : memref<128x128xf32, #tpu.memory_space<vmem_shared>>)
      tpu.yield
    }) : () -> ()
    %add3A_13 = arith.constant 256 : i32
    %add3A_14 = arith.addi %mul3A_9, %add3A_13 : i32
    "tpu.region"() ({
      %run_scoped3A_44 = tpu.sem_alloc : memref<!tpu.dma_semaphore, #tpu.memory_space<semaphore_mem>>
      %dma_start3A_45 = arith.constant 0 : i32
      %dma_start3A_46 = arith.constant 0 : i32
      %dma_start3A_47 = tpu.memref_slice %arg8[%dma_start3A_45, %dma_start3A_46] : memref<128x128xf32, #tpu.memory_space<vmem>> -> memref<72x128xf32, #tpu.memory_space<vmem>>
      %dma_start3A_48 = arith.constant 0 : i32
      %dma_start3A_49 = tpu.memref_slice %arg12[%add3A_14, %dma_start3A_48] : memref<5248x128xf32, #tpu.memory_space<vmem_shared>> -> memref<72x128xf32, #tpu.memory_space<vmem_shared>>
      %dma_start3A_50 = arith.constant 0 : i32
      %dma_start3A_51 = tpu.memref_slice %arg12[%add3A_14, %dma_start3A_50] : memref<5248x128xf32, #tpu.memory_space<vmem_shared>> -> memref<72x128xf32, #tpu.memory_space<vmem_shared>>
      %dma_start3A_52 = arith.constant 0 : i32
      %dma_start3A_53 = arith.constant 0 : i32
      %dma_start3A_54 = tpu.memref_slice %arg8[%dma_start3A_52, %dma_start3A_53] : memref<128x128xf32, #tpu.memory_space<vmem>> -> memref<72x128xf32, #tpu.memory_space<vmem>>
      tpu.enqueue_dma source(%dma_start3A_54 : memref<72x128xf32, #tpu.memory_space<vmem>>) target(%dma_start3A_51 : memref<72x128xf32, #tpu.memory_space<vmem_shared>>) target_semaphore(%run_scoped3A_44 : memref<!tpu.dma_semaphore, #tpu.memory_space<semaphore_mem>>)
      %dma_wait3A_55 = arith.constant 0 : i32
      %dma_wait3A_56 = arith.constant 0 : i32
      %dma_wait3A_57 = tpu.memref_slice %arg8[%dma_wait3A_55, %dma_wait3A_56] : memref<128x128xf32, #tpu.memory_space<vmem>> -> memref<72x128xf32, #tpu.memory_space<vmem>>
      %dma_wait3A_58 = arith.constant 0 : i32
      %dma_wait3A_59 = tpu.memref_slice %arg12[%add3A_14, %dma_wait3A_58] : memref<5248x128xf32, #tpu.memory_space<vmem_shared>> -> memref<72x128xf32, #tpu.memory_space<vmem_shared>>
      %dma_wait3A_60 = arith.constant 0 : i32
      %dma_wait3A_61 = tpu.memref_slice %arg12[%add3A_14, %dma_wait3A_60] : memref<5248x128xf32, #tpu.memory_space<vmem_shared>> -> memref<72x128xf32, #tpu.memory_space<vmem_shared>>
      %dma_wait3A_62 = arith.constant 0 : i32
      %dma_wait3A_63 = arith.constant 0 : i32
      %dma_wait3A_64 = tpu.memref_slice %arg8[%dma_wait3A_62, %dma_wait3A_63] : memref<128x128xf32, #tpu.memory_space<vmem>> -> memref<72x128xf32, #tpu.memory_space<vmem>>
      tpu.wait_dma2 semaphore(%run_scoped3A_44 : memref<!tpu.dma_semaphore, #tpu.memory_space<semaphore_mem>>) src(%dma_wait3A_64 : memref<72x128xf32, #tpu.memory_space<vmem>>) dst(%dma_wait3A_61 : memref<72x128xf32, #tpu.memory_space<vmem_shared>>)
      tpu.yield
    }) : () -> ()
    %barrier3A = arith.constant 0 : index
    tpu.barrier barrier_id(%barrier3A)
    "tpu.region"() ({
      %run_scoped3A_44 = tpu.sem_alloc : memref<!tpu.dma_semaphore, #tpu.memory_space<semaphore_mem>>
      %dma_start3A_45 = arith.constant 0 : i32
      %dma_start3A_46 = arith.constant 0 : i32
      %dma_start3A_47 = tpu.memref_slice %arg3[%arg1, %dma_start3A_45, %dma_start3A_46] : memref<16x157x128xi32, #tpu.memory_space<hbm>> -> memref<1x157x128xi32, #tpu.memory_space<hbm>>
      %dma_start3A_48 = tpu.memref_squeeze %dma_start3A_47 : memref<1x157x128xi32, #tpu.memory_space<hbm>> -> memref<157x128xi32, #tpu.memory_space<hbm>>
      %dma_start3A_49 = arith.constant 0 : i32
      %dma_start3A_50 = arith.constant 0 : i32
      %dma_start3A_51 = tpu.memref_slice %arg3[%arg1, %dma_start3A_49, %dma_start3A_50] : memref<16x157x128xi32, #tpu.memory_space<hbm>> -> memref<1x157x128xi32, #tpu.memory_space<hbm>>
      %dma_start3A_52 = tpu.memref_squeeze %dma_start3A_51 : memref<1x157x128xi32, #tpu.memory_space<hbm>> -> memref<157x128xi32, #tpu.memory_space<hbm>>
      tpu.enqueue_dma source(%dma_start3A_52 : memref<157x128xi32, #tpu.memory_space<hbm>>) target(%arg6 : memref<157x128xi32, #tpu.memory_space<vmem>>) target_semaphore(%run_scoped3A_44 : memref<!tpu.dma_semaphore, #tpu.memory_space<semaphore_mem>>)
      %dma_wait3A_53 = arith.constant 0 : i32
      %dma_wait3A_54 = arith.constant 0 : i32
      %dma_wait3A_55 = tpu.memref_slice %arg3[%arg1, %dma_wait3A_53, %dma_wait3A_54] : memref<16x157x128xi32, #tpu.memory_space<hbm>> -> memref<1x157x128xi32, #tpu.memory_space<hbm>>
      %dma_wait3A_56 = tpu.memref_squeeze %dma_wait3A_55 : memref<1x157x128xi32, #tpu.memory_space<hbm>> -> memref<157x128xi32, #tpu.memory_space<hbm>>
      %dma_wait3A_57 = arith.constant 0 : i32
      %dma_wait3A_58 = arith.constant 0 : i32
      %dma_wait3A_59 = tpu.memref_slice %arg3[%arg1, %dma_wait3A_57, %dma_wait3A_58] : memref<16x157x128xi32, #tpu.memory_space<hbm>> -> memref<1x157x128xi32, #tpu.memory_space<hbm>>
      %dma_wait3A_60 = tpu.memref_squeeze %dma_wait3A_59 : memref<1x157x128xi32, #tpu.memory_space<hbm>> -> memref<157x128xi32, #tpu.memory_space<hbm>>
      tpu.wait_dma2 semaphore(%run_scoped3A_44 : memref<!tpu.dma_semaphore, #tpu.memory_space<semaphore_mem>>) src(%dma_wait3A_60 : memref<157x128xi32, #tpu.memory_space<hbm>>) dst(%arg6 : memref<157x128xi32, #tpu.memory_space<vmem>>)
      tpu.yield
    }) : () -> ()
    "tpu.region"() ({
      %run_scoped3A_44 = tpu.sem_alloc : memref<!tpu.dma_semaphore, #tpu.memory_space<semaphore_mem>>
      %dma_start3A_45 = arith.constant 0 : i32
      %dma_start3A_46 = arith.constant 0 : i32
      %dma_start3A_47 = tpu.memref_slice %arg4[%arg1, %dma_start3A_45, %dma_start3A_46] : memref<16x157x128xi32, #tpu.memory_space<hbm>> -> memref<1x157x128xi32, #tpu.memory_space<hbm>>
      %dma_start3A_48 = tpu.memref_squeeze %dma_start3A_47 : memref<1x157x128xi32, #tpu.memory_space<hbm>> -> memref<157x128xi32, #tpu.memory_space<hbm>>
      %dma_start3A_49 = arith.constant 0 : i32
      %dma_start3A_50 = arith.constant 0 : i32
      %dma_start3A_51 = tpu.memref_slice %arg4[%arg1, %dma_start3A_49, %dma_start3A_50] : memref<16x157x128xi32, #tpu.memory_space<hbm>> -> memref<1x157x128xi32, #tpu.memory_space<hbm>>
      %dma_start3A_52 = tpu.memref_squeeze %dma_start3A_51 : memref<1x157x128xi32, #tpu.memory_space<hbm>> -> memref<157x128xi32, #tpu.memory_space<hbm>>
      tpu.enqueue_dma source(%dma_start3A_52 : memref<157x128xi32, #tpu.memory_space<hbm>>) target(%arg7 : memref<157x128xi32, #tpu.memory_space<vmem>>) target_semaphore(%run_scoped3A_44 : memref<!tpu.dma_semaphore, #tpu.memory_space<semaphore_mem>>)
      %dma_wait3A_53 = arith.constant 0 : i32
      %dma_wait3A_54 = arith.constant 0 : i32
      %dma_wait3A_55 = tpu.memref_slice %arg4[%arg1, %dma_wait3A_53, %dma_wait3A_54] : memref<16x157x128xi32, #tpu.memory_space<hbm>> -> memref<1x157x128xi32, #tpu.memory_space<hbm>>
      %dma_wait3A_56 = tpu.memref_squeeze %dma_wait3A_55 : memref<1x157x128xi32, #tpu.memory_space<hbm>> -> memref<157x128xi32, #tpu.memory_space<hbm>>
      %dma_wait3A_57 = arith.constant 0 : i32
      %dma_wait3A_58 = arith.constant 0 : i32
      %dma_wait3A_59 = tpu.memref_slice %arg4[%arg1, %dma_wait3A_57, %dma_wait3A_58] : memref<16x157x128xi32, #tpu.memory_space<hbm>> -> memref<1x157x128xi32, #tpu.memory_space<hbm>>
      %dma_wait3A_60 = tpu.memref_squeeze %dma_wait3A_59 : memref<1x157x128xi32, #tpu.memory_space<hbm>> -> memref<157x128xi32, #tpu.memory_space<hbm>>
      tpu.wait_dma2 semaphore(%run_scoped3A_44 : memref<!tpu.dma_semaphore, #tpu.memory_space<semaphore_mem>>) src(%dma_wait3A_60 : memref<157x128xi32, #tpu.memory_space<hbm>>) dst(%arg7 : memref<157x128xi32, #tpu.memory_space<vmem>>)
      tpu.yield
    }) : () -> ()
    %mul3A_15 = arith.constant 5120 : i32
    %mul3A_16 = arith.muli %arg0, %mul3A_15 : i32
    %scan3A_17 = arith.constant 0 : i32
    %scan3A_18 = arith.constant 0 : i32
    %scan3A_19 = arith.constant 157 : i32
    %scan3A_20 = arith.addi %scan3A_18, %scan3A_19 : i32
    %scan3A_21 = arith.constant 1 : i32
    %scan3A_22 = scf.for %scan3A_44 = %scan3A_18 to %scan3A_20 step %scan3A_21 iter_args(%scan3A_45 = %scan3A_17) -> (i32)  : i32 {
      %get3A = arith.index_cast %scan3A_44 : i32 to index
      %get3A_46 = arith.constant 0 : index
      %get3A_47 = tpu.vector_load %arg7[%get3A, %get3A_46] {strides = array<i32>} : memref<157x128xi32, #tpu.memory_space<vmem>>, vector<16xi32>,
      %sub3A = vector.broadcast %mul3A_16 : i32 to vector<16xi32>
      %sub3A_48 = arith.subi %get3A_47, %sub3A : vector<16xi32>
      %ge3A = arith.constant 0 : i32
      %ge3A_49 = vector.broadcast %ge3A : i32 to vector<16xi32>
      %ge3A_50 = arith.cmpi sge, %sub3A_48, %ge3A_49 : vector<16xi32>
      %lt3A = arith.constant 5120 : i32
      %lt3A_51 = vector.broadcast %lt3A : i32 to vector<16xi32>
      %lt3A_52 = arith.cmpi slt, %sub3A_48, %lt3A_51 : vector<16xi32>
      %and3A = arith.andi %ge3A_50, %lt3A_52 : vector<16xi1>
      %and3A_53 = arith.constant 127 : i32
      %and3A_54 = vector.broadcast %and3A_53 : i32 to vector<16xi32>
      %and3A_55 = arith.andi %sub3A_48, %and3A_54 : vector<16xi32>
      %add3A_56 = arith.constant 5120 : i32
      %add3A_57 = vector.broadcast %add3A_56 : i32 to vector<16xi32>
      %add3A_58 = arith.addi %add3A_57, %and3A_55 : vector<16xi32>
      %select_n3A = arith.select %and3A, %sub3A_48, %add3A_58 : vector<16xi1>, vector<16xi32>
      %swap3A = arith.index_cast %scan3A_44 : i32 to index
      %swap3A_59 = arith.constant 0 : index
      %swap3A_60 = tpu.vector_load %arg7[%swap3A, %swap3A_59] {strides = array<i32>} : memref<157x128xi32, #tpu.memory_space<vmem>>, vector<16xi32>,
      tpu.vector_store %arg7[%swap3A, %swap3A_59], %select_n3A {strides = array<i32>} : memref<157x128xi32, #tpu.memory_space<vmem>>, vector<16xi32>,
      %get3A_61 = arith.index_cast %scan3A_44 : i32 to index
      %get3A_62 = arith.constant 16 : index
      %get3A_63 = tpu.vector_load %arg7[%get3A_61, %get3A_62] {strides = array<i32>} : memref<157x128xi32, #tpu.memory_space<vmem>>, vector<16xi32>,
      %sub3A_64 = vector.broadcast %mul3A_16 : i32 to vector<16xi32>
      %sub3A_65 = arith.subi %get3A_63, %sub3A_64 : vector<16xi32>
      %ge3A_66 = arith.constant 0 : i32
      %ge3A_67 = vector.broadcast %ge3A_66 : i32 to vector<16xi32>
      %ge3A_68 = arith.cmpi sge, %sub3A_65, %ge3A_67 : vector<16xi32>
      %lt3A_69 = arith.constant 5120 : i32
      %lt3A_70 = vector.broadcast %lt3A_69 : i32 to vector<16xi32>
      %lt3A_71 = arith.cmpi slt, %sub3A_65, %lt3A_70 : vector<16xi32>
      %and3A_72 = arith.andi %ge3A_68, %lt3A_71 : vector<16xi1>
      %and3A_73 = arith.constant 127 : i32
      %and3A_74 = vector.broadcast %and3A_73 : i32 to vector<16xi32>
      %and3A_75 = arith.andi %sub3A_65, %and3A_74 : vector<16xi32>
      %add3A_76 = arith.constant 5120 : i32
      %add3A_77 = vector.broadcast %add3A_76 : i32 to vector<16xi32>
      %add3A_78 = arith.addi %add3A_77, %and3A_75 : vector<16xi32>
      %select_n3A_79 = arith.select %and3A_72, %sub3A_65, %add3A_78 : vector<16xi1>, vector<16xi32>
      %swap3A_80 = arith.index_cast %scan3A_44 : i32 to index
      %swap3A_81 = arith.constant 16 : index
      %swap3A_82 = tpu.vector_load %arg7[%swap3A_80, %swap3A_81] {strides = array<i32>} : memref<157x128xi32, #tpu.memory_space<vmem>>, vector<16xi32>,
      tpu.vector_store %arg7[%swap3A_80, %swap3A_81], %select_n3A_79 {strides = array<i32>} : memref<157x128xi32, #tpu.memory_space<vmem>>, vector<16xi32>,
      %get3A_83 = arith.index_cast %scan3A_44 : i32 to index
      %get3A_84 = arith.constant 32 : index
      %get3A_85 = tpu.vector_load %arg7[%get3A_83, %get3A_84] {strides = array<i32>} : memref<157x128xi32, #tpu.memory_space<vmem>>, vector<16xi32>,
      %sub3A_86 = vector.broadcast %mul3A_16 : i32 to vector<16xi32>
      %sub3A_87 = arith.subi %get3A_85, %sub3A_86 : vector<16xi32>
      %ge3A_88 = arith.constant 0 : i32
      %ge3A_89 = vector.broadcast %ge3A_88 : i32 to vector<16xi32>
      %ge3A_90 = arith.cmpi sge, %sub3A_87, %ge3A_89 : vector<16xi32>
      %lt3A_91 = arith.constant 5120 : i32
      %lt3A_92 = vector.broadcast %lt3A_91 : i32 to vector<16xi32>
      %lt3A_93 = arith.cmpi slt, %sub3A_87, %lt3A_92 : vector<16xi32>
      %and3A_94 = arith.andi %ge3A_90, %lt3A_93 : vector<16xi1>
      %and3A_95 = arith.constant 127 : i32
      %and3A_96 = vector.broadcast %and3A_95 : i32 to vector<16xi32>
      %and3A_97 = arith.andi %sub3A_87, %and3A_96 : vector<16xi32>
      %add3A_98 = arith.constant 5120 : i32
      %add3A_99 = vector.broadcast %add3A_98 : i32 to vector<16xi32>
      %add3A_100 = arith.addi %add3A_99, %and3A_97 : vector<16xi32>
      %select_n3A_101 = arith.select %and3A_94, %sub3A_87, %add3A_100 : vector<16xi1>, vector<16xi32>
      %swap3A_102 = arith.index_cast %scan3A_44 : i32 to index
      %swap3A_103 = arith.constant 32 : index
      %swap3A_104 = tpu.vector_load %arg7[%swap3A_102, %swap3A_103] {strides = array<i32>} : memref<157x128xi32, #tpu.memory_space<vmem>>, vector<16xi32>,
      tpu.vector_store %arg7[%swap3A_102, %swap3A_103], %select_n3A_101 {strides = array<i32>} : memref<157x128xi32, #tpu.memory_space<vmem>>, vector<16xi32>,
      %get3A_105 = arith.index_cast %scan3A_44 : i32 to index
      %get3A_106 = arith.constant 48 : index
      %get3A_107 = tpu.vector_load %arg7[%get3A_105, %get3A_106] {strides = array<i32>} : memref<157x128xi32, #tpu.memory_space<vmem>>, vector<16xi32>,
      %sub3A_108 = vector.broadcast %mul3A_16 : i32 to vector<16xi32>
      %sub3A_109 = arith.subi %get3A_107, %sub3A_108 : vector<16xi32>
      %ge3A_110 = arith.constant 0 : i32
      %ge3A_111 = vector.broadcast %ge3A_110 : i32 to vector<16xi32>
      %ge3A_112 = arith.cmpi sge, %sub3A_109, %ge3A_111 : vector<16xi32>
      %lt3A_113 = arith.constant 5120 : i32
      %lt3A_114 = vector.broadcast %lt3A_113 : i32 to vector<16xi32>
      %lt3A_115 = arith.cmpi slt, %sub3A_109, %lt3A_114 : vector<16xi32>
      %and3A_116 = arith.andi %ge3A_112, %lt3A_115 : vector<16xi1>
      %and3A_117 = arith.constant 127 : i32
      %and3A_118 = vector.broadcast %and3A_117 : i32 to vector<16xi32>
      %and3A_119 = arith.andi %sub3A_109, %and3A_118 : vector<16xi32>
      %add3A_120 = arith.constant 5120 : i32
      %add3A_121 = vector.broadcast %add3A_120 : i32 to vector<16xi32>
      %add3A_122 = arith.addi %add3A_121, %and3A_119 : vector<16xi32>
      %select_n3A_123 = arith.select %and3A_116, %sub3A_109, %add3A_122 : vector<16xi1>, vector<16xi32>
      %swap3A_124 = arith.index_cast %scan3A_44 : i32 to index
      %swap3A_125 = arith.constant 48 : index
      %swap3A_126 = tpu.vector_load %arg7[%swap3A_124, %swap3A_125] {strides = array<i32>} : memref<157x128xi32, #tpu.memory_space<vmem>>, vector<16xi32>,
      tpu.vector_store %arg7[%swap3A_124, %swap3A_125], %select_n3A_123 {strides = array<i32>} : memref<157x128xi32, #tpu.memory_space<vmem>>, vector<16xi32>,
      %get3A_127 = arith.index_cast %scan3A_44 : i32 to index
      %get3A_128 = arith.constant 64 : index
      %get3A_129 = tpu.vector_load %arg7[%get3A_127, %get3A_128] {strides = array<i32>} : memref<157x128xi32, #tpu.memory_space<vmem>>, vector<16xi32>,
      %sub3A_130 = vector.broadcast %mul3A_16 : i32 to vector<16xi32>
      %sub3A_131 = arith.subi %get3A_129, %sub3A_130 : vector<16xi32>
      %ge3A_132 = arith.constant 0 : i32
      %ge3A_133 = vector.broadcast %ge3A_132 : i32 to vector<16xi32>
      %ge3A_134 = arith.cmpi sge, %sub3A_131, %ge3A_133 : vector<16xi32>
      %lt3A_135 = arith.constant 5120 : i32
      %lt3A_136 = vector.broadcast %lt3A_135 : i32 to vector<16xi32>
      %lt3A_137 = arith.cmpi slt, %sub3A_131, %lt3A_136 : vector<16xi32>
      %and3A_138 = arith.andi %ge3A_134, %lt3A_137 : vector<16xi1>
      %and3A_139 = arith.constant 127 : i32
      %and3A_140 = vector.broadcast %and3A_139 : i32 to vector<16xi32>
      %and3A_141 = arith.andi %sub3A_131, %and3A_140 : vector<16xi32>
      %add3A_142 = arith.constant 5120 : i32
      %add3A_143 = vector.broadcast %add3A_142 : i32 to vector<16xi32>
      %add3A_144 = arith.addi %add3A_143, %and3A_141 : vector<16xi32>
      %select_n3A_145 = arith.select %and3A_138, %sub3A_131, %add3A_144 : vector<16xi1>, vector<16xi32>
      %swap3A_146 = arith.index_cast %scan3A_44 : i32 to index
      %swap3A_147 = arith.constant 64 : index
      %swap3A_148 = tpu.vector_load %arg7[%swap3A_146, %swap3A_147] {strides = array<i32>} : memref<157x128xi32, #tpu.memory_space<vmem>>, vector<16xi32>,
      tpu.vector_store %arg7[%swap3A_146, %swap3A_147], %select_n3A_145 {strides = array<i32>} : memref<157x128xi32, #tpu.memory_space<vmem>>, vector<16xi32>,
      %get3A_149 = arith.index_cast %scan3A_44 : i32 to index
      %get3A_150 = arith.constant 80 : index
      %get3A_151 = tpu.vector_load %arg7[%get3A_149, %get3A_150] {strides = array<i32>} : memref<157x128xi32, #tpu.memory_space<vmem>>, vector<16xi32>,
      %sub3A_152 = vector.broadcast %mul3A_16 : i32 to vector<16xi32>
      %sub3A_153 = arith.subi %get3A_151, %sub3A_152 : vector<16xi32>
      %ge3A_154 = arith.constant 0 : i32
      %ge3A_155 = vector.broadcast %ge3A_154 : i32 to vector<16xi32>
      %ge3A_156 = arith.cmpi sge, %sub3A_153, %ge3A_155 : vector<16xi32>
      %lt3A_157 = arith.constant 5120 : i32
      %lt3A_158 = vector.broadcast %lt3A_157 : i32 to vector<16xi32>
      %lt3A_159 = arith.cmpi slt, %sub3A_153, %lt3A_158 : vector<16xi32>
      %and3A_160 = arith.andi %ge3A_156, %lt3A_159 : vector<16xi1>
      %and3A_161 = arith.constant 127 : i32
      %and3A_162 = vector.broadcast %and3A_161 : i32 to vector<16xi32>
      %and3A_163 = arith.andi %sub3A_153, %and3A_162 : vector<16xi32>
      %add3A_164 = arith.constant 5120 : i32
      %add3A_165 = vector.broadcast %add3A_164 : i32 to vector<16xi32>
      %add3A_166 = arith.addi %add3A_165, %and3A_163 : vector<16xi32>
      %select_n3A_167 = arith.select %and3A_160, %sub3A_153, %add3A_166 : vector<16xi1>, vector<16xi32>
      %swap3A_168 = arith.index_cast %scan3A_44 : i32 to index
      %swap3A_169 = arith.constant 80 : index
      %swap3A_170 = tpu.vector_load %arg7[%swap3A_168, %swap3A_169] {strides = array<i32>} : memref<157x128xi32, #tpu.memory_space<vmem>>, vector<16xi32>,
      tpu.vector_store %arg7[%swap3A_168, %swap3A_169], %select_n3A_167 {strides = array<i32>} : memref<157x128xi32, #tpu.memory_space<vmem>>, vector<16xi32>,
      %get3A_171 = arith.index_cast %scan3A_44 : i32 to index
      %get3A_172 = arith.constant 96 : index
      %get3A_173 = tpu.vector_load %arg7[%get3A_171, %get3A_172] {strides = array<i32>} : memref<157x128xi32, #tpu.memory_space<vmem>>, vector<16xi32>,
      %sub3A_174 = vector.broadcast %mul3A_16 : i32 to vector<16xi32>
      %sub3A_175 = arith.subi %get3A_173, %sub3A_174 : vector<16xi32>
      %ge3A_176 = arith.constant 0 : i32
      %ge3A_177 = vector.broadcast %ge3A_176 : i32 to vector<16xi32>
      %ge3A_178 = arith.cmpi sge, %sub3A_175, %ge3A_177 : vector<16xi32>
      %lt3A_179 = arith.constant 5120 : i32
      %lt3A_180 = vector.broadcast %lt3A_179 : i32 to vector<16xi32>
      %lt3A_181 = arith.cmpi slt, %sub3A_175, %lt3A_180 : vector<16xi32>
      %and3A_182 = arith.andi %ge3A_178, %lt3A_181 : vector<16xi1>
      %and3A_183 = arith.constant 127 : i32
      %and3A_184 = vector.broadcast %and3A_183 : i32 to vector<16xi32>
      %and3A_185 = arith.andi %sub3A_175, %and3A_184 : vector<16xi32>
      %add3A_186 = arith.constant 5120 : i32
      %add3A_187 = vector.broadcast %add3A_186 : i32 to vector<16xi32>
      %add3A_188 = arith.addi %add3A_187, %and3A_185 : vector<16xi32>
      %select_n3A_189 = arith.select %and3A_182, %sub3A_175, %add3A_188 : vector<16xi1>, vector<16xi32>
      %swap3A_190 = arith.index_cast %scan3A_44 : i32 to index
      %swap3A_191 = arith.constant 96 : index
      %swap3A_192 = tpu.vector_load %arg7[%swap3A_190, %swap3A_191] {strides = array<i32>} : memref<157x128xi32, #tpu.memory_space<vmem>>, vector<16xi32>,
      tpu.vector_store %arg7[%swap3A_190, %swap3A_191], %select_n3A_189 {strides = array<i32>} : memref<157x128xi32, #tpu.memory_space<vmem>>, vector<16xi32>,
      %get3A_193 = arith.index_cast %scan3A_44 : i32 to index
      %get3A_194 = arith.constant 112 : index
      %get3A_195 = tpu.vector_load %arg7[%get3A_193, %get3A_194] {strides = array<i32>} : memref<157x128xi32, #tpu.memory_space<vmem>>, vector<16xi32>,
      %sub3A_196 = vector.broadcast %mul3A_16 : i32 to vector<16xi32>
      %sub3A_197 = arith.subi %get3A_195, %sub3A_196 : vector<16xi32>
      %ge3A_198 = arith.constant 0 : i32
      %ge3A_199 = vector.broadcast %ge3A_198 : i32 to vector<16xi32>
      %ge3A_200 = arith.cmpi sge, %sub3A_197, %ge3A_199 : vector<16xi32>
      %lt3A_201 = arith.constant 5120 : i32
      %lt3A_202 = vector.broadcast %lt3A_201 : i32 to vector<16xi32>
      %lt3A_203 = arith.cmpi slt, %sub3A_197, %lt3A_202 : vector<16xi32>
      %and3A_204 = arith.andi %ge3A_200, %lt3A_203 : vector<16xi1>
      %and3A_205 = arith.constant 127 : i32
      %and3A_206 = vector.broadcast %and3A_205 : i32 to vector<16xi32>
      %and3A_207 = arith.andi %sub3A_197, %and3A_206 : vector<16xi32>
      %add3A_208 = arith.constant 5120 : i32
      %add3A_209 = vector.broadcast %add3A_208 : i32 to vector<16xi32>
      %add3A_210 = arith.addi %add3A_209, %and3A_207 : vector<16xi32>
      %select_n3A_211 = arith.select %and3A_204, %sub3A_197, %add3A_210 : vector<16xi1>, vector<16xi32>
      %swap3A_212 = arith.index_cast %scan3A_44 : i32 to index
      %swap3A_213 = arith.constant 112 : index
      %swap3A_214 = tpu.vector_load %arg7[%swap3A_212, %swap3A_213] {strides = array<i32>} : memref<157x128xi32, #tpu.memory_space<vmem>>, vector<16xi32>,
      tpu.vector_store %arg7[%swap3A_212, %swap3A_213], %select_n3A_211 {strides = array<i32>} : memref<157x128xi32, #tpu.memory_space<vmem>>, vector<16xi32>,
      %scan3A_215 = arith.constant 0 : i32
      scf.yield %scan3A_215 : i32
    }
    %scan3A_23 = arith.constant 157 : i32
    %scan3A_24 = arith.constant 0 : i32
    %scan3A_25 = arith.constant 0 : i32
    %scan3A_26 = arith.constant 78 : i32
    %scan3A_27 = arith.addi %scan3A_25, %scan3A_26 : i32
    %scan3A_28 = arith.constant 1 : i32
    %scan3A_29 = scf.for %scan3A_44 = %scan3A_25 to %scan3A_27 step %scan3A_28 iter_args(%scan3A_45 = %scan3A_24) -> (i32)  : i32 {
      %mul3A_46 = arith.constant 2 : i32
      %mul3A_47 = arith.muli %mul3A_46, %scan3A_44 : i32
      %add3A_48 = arith.constant 1 : i32
      %add3A_49 = arith.addi %mul3A_47, %add3A_48 : i32
      %dma_start3A_50 = arith.constant 0 : i32
      %dma_start3A_51 = tpu.memref_slice %arg6[%mul3A_47, %dma_start3A_50] : memref<157x128xi32, #tpu.memory_space<vmem>> -> memref<1x128xi32, #tpu.memory_space<vmem>>
      %dma_start3A_52 = tpu.memref_squeeze %dma_start3A_51 : memref<1x128xi32, #tpu.memory_space<vmem>> -> memref<128xi32, #tpu.memory_space<vmem>>
      %dma_start3A_53 = arith.constant 0 : i32
      %dma_start3A_54 = arith.constant 0 : i32
      %dma_start3A_55 = tpu.memref_slice %arg2[%dma_start3A_53, %dma_start3A_54] : memref<10000x128xf32, #tpu.memory_space<hbm>> -> memref<10000x128xf32, #tpu.memory_space<hbm>>
      tpu.enqueue_indirect_dma source(%dma_start3A_55 : memref<10000x128xf32, #tpu.memory_space<hbm>>) target(%arg8 : memref<128x128xf32, #tpu.memory_space<vmem>>) offsets(%dma_start3A_52 : memref<128xi32, #tpu.memory_space<vmem>>) semaphore(%arg10 : memref<!tpu.dma_semaphore, #tpu.memory_space<semaphore_mem>>)
      %dma_start3A_56 = arith.constant 0 : i32
      %dma_start3A_57 = tpu.memref_slice %arg6[%add3A_49, %dma_start3A_56] : memref<157x128xi32, #tpu.memory_space<vmem>> -> memref<1x128xi32, #tpu.memory_space<vmem>>
      %dma_start3A_58 = tpu.memref_squeeze %dma_start3A_57 : memref<1x128xi32, #tpu.memory_space<vmem>> -> memref<128xi32, #tpu.memory_space<vmem>>
      %dma_start3A_59 = arith.constant 0 : i32
      %dma_start3A_60 = arith.constant 0 : i32
      %dma_start3A_61 = tpu.memref_slice %arg2[%dma_start3A_59, %dma_start3A_60] : memref<10000x128xf32, #tpu.memory_space<hbm>> -> memref<10000x128xf32, #tpu.memory_space<hbm>>
      tpu.enqueue_indirect_dma source(%dma_start3A_61 : memref<10000x128xf32, #tpu.memory_space<hbm>>) target(%arg9 : memref<128x128xf32, #tpu.memory_space<vmem>>) offsets(%dma_start3A_58 : memref<128xi32, #tpu.memory_space<vmem>>) semaphore(%arg11 : memref<!tpu.dma_semaphore, #tpu.memory_space<semaphore_mem>>)
      %dma_wait3A_62 = arith.constant 0 : i32
      %dma_wait3A_63 = tpu.memref_slice %arg6[%mul3A_47, %dma_wait3A_62] : memref<157x128xi32, #tpu.memory_space<vmem>> -> memref<1x128xi32, #tpu.memory_space<vmem>>
      %dma_wait3A_64 = tpu.memref_squeeze %dma_wait3A_63 : memref<1x128xi32, #tpu.memory_space<vmem>> -> memref<128xi32, #tpu.memory_space<vmem>>
      %dma_wait3A_65 = arith.constant 0 : i32
      %dma_wait3A_66 = arith.constant 0 : i32
      %dma_wait3A_67 = tpu.memref_slice %arg2[%dma_wait3A_65, %dma_wait3A_66] : memref<10000x128xf32, #tpu.memory_space<hbm>> -> memref<10000x128xf32, #tpu.memory_space<hbm>>
      tpu.wait_indirect_dma semaphore(%arg10 : memref<!tpu.dma_semaphore, #tpu.memory_space<semaphore_mem>>) src(%dma_wait3A_67 : memref<10000x128xf32, #tpu.memory_space<hbm>>) dst(%arg8 : memref<128x128xf32, #tpu.memory_space<vmem>>)
      "tpu.region"() ({
        %run_scoped3A_75 = tpu.sem_alloc : memref<!tpu.dma_semaphore, #tpu.memory_space<semaphore_mem>>
        %dma_start3A_76 = arith.constant 0 : i32
        %dma_start3A_77 = tpu.memref_slice %arg7[%mul3A_47, %dma_start3A_76] : memref<157x128xi32, #tpu.memory_space<vmem>> -> memref<1x128xi32, #tpu.memory_space<vmem>>
        %dma_start3A_78 = tpu.memref_squeeze %dma_start3A_77 : memref<1x128xi32, #tpu.memory_space<vmem>> -> memref<128xi32, #tpu.memory_space<vmem>>
        %dma_start3A_79 = arith.constant 0 : i32
        %dma_start3A_80 = arith.constant 0 : i32
        %dma_start3A_81 = tpu.memref_slice %arg12[%dma_start3A_79, %dma_start3A_80] : memref<5248x128xf32, #tpu.memory_space<vmem_shared>> -> memref<5248x128xf32, #tpu.memory_space<vmem_shared>>
        tpu.enqueue_indirect_dma source(%arg8 : memref<128x128xf32, #tpu.memory_space<vmem>>) target(%dma_start3A_81 : memref<5248x128xf32, #tpu.memory_space<vmem_shared>>) offsets(%dma_start3A_78 : memref<128xi32, #tpu.memory_space<vmem>>) semaphore(%run_scoped3A_75 : memref<!tpu.dma_semaphore, #tpu.memory_space<semaphore_mem>>) {add = true}
        %dma_wait3A_82 = arith.constant 0 : i32
        %dma_wait3A_83 = tpu.memref_slice %arg7[%mul3A_47, %dma_wait3A_82] : memref<157x128xi32, #tpu.memory_space<vmem>> -> memref<1x128xi32, #tpu.memory_space<vmem>>
        %dma_wait3A_84 = tpu.memref_squeeze %dma_wait3A_83 : memref<1x128xi32, #tpu.memory_space<vmem>> -> memref<128xi32, #tpu.memory_space<vmem>>
        %dma_wait3A_85 = arith.constant 0 : i32
        %dma_wait3A_86 = arith.constant 0 : i32
        %dma_wait3A_87 = tpu.memref_slice %arg12[%dma_wait3A_85, %dma_wait3A_86] : memref<5248x128xf32, #tpu.memory_space<vmem_shared>> -> memref<5248x128xf32, #tpu.memory_space<vmem_shared>>
        tpu.wait_indirect_dma semaphore(%run_scoped3A_75 : memref<!tpu.dma_semaphore, #tpu.memory_space<semaphore_mem>>) src(%arg8 : memref<128x128xf32, #tpu.memory_space<vmem>>) dst(%dma_wait3A_87 : memref<5248x128xf32, #tpu.memory_space<vmem_shared>>)
        tpu.yield
      }) : () -> ()
      %dma_wait3A_68 = arith.constant 0 : i32
      %dma_wait3A_69 = tpu.memref_slice %arg6[%add3A_49, %dma_wait3A_68] : memref<157x128xi32, #tpu.memory_space<vmem>> -> memref<1x128xi32, #tpu.memory_space<vmem>>
      %dma_wait3A_70 = tpu.memref_squeeze %dma_wait3A_69 : memref<1x128xi32, #tpu.memory_space<vmem>> -> memref<128xi32, #tpu.memory_space<vmem>>
      %dma_wait3A_71 = arith.constant 0 : i32
      %dma_wait3A_72 = arith.constant 0 : i32
      %dma_wait3A_73 = tpu.memref_slice %arg2[%dma_wait3A_71, %dma_wait3A_72] : memref<10000x128xf32, #tpu.memory_space<hbm>> -> memref<10000x128xf32, #tpu.memory_space<hbm>>
      tpu.wait_indirect_dma semaphore(%arg11 : memref<!tpu.dma_semaphore, #tpu.memory_space<semaphore_mem>>) src(%dma_wait3A_73 : memref<10000x128xf32, #tpu.memory_space<hbm>>) dst(%arg9 : memref<128x128xf32, #tpu.memory_space<vmem>>)
      "tpu.region"() ({
        %run_scoped3A_75 = tpu.sem_alloc : memref<!tpu.dma_semaphore, #tpu.memory_space<semaphore_mem>>
        %dma_start3A_76 = arith.constant 0 : i32
        %dma_start3A_77 = tpu.memref_slice %arg7[%add3A_49, %dma_start3A_76] : memref<157x128xi32, #tpu.memory_space<vmem>> -> memref<1x128xi32, #tpu.memory_space<vmem>>
        %dma_start3A_78 = tpu.memref_squeeze %dma_start3A_77 : memref<1x128xi32, #tpu.memory_space<vmem>> -> memref<128xi32, #tpu.memory_space<vmem>>
        %dma_start3A_79 = arith.constant 0 : i32
        %dma_start3A_80 = arith.constant 0 : i32
        %dma_start3A_81 = tpu.memref_slice %arg12[%dma_start3A_79, %dma_start3A_80] : memref<5248x128xf32, #tpu.memory_space<vmem_shared>> -> memref<5248x128xf32, #tpu.memory_space<vmem_shared>>
        tpu.enqueue_indirect_dma source(%arg9 : memref<128x128xf32, #tpu.memory_space<vmem>>) target(%dma_start3A_81 : memref<5248x128xf32, #tpu.memory_space<vmem_shared>>) offsets(%dma_start3A_78 : memref<128xi32, #tpu.memory_space<vmem>>) semaphore(%run_scoped3A_75 : memref<!tpu.dma_semaphore, #tpu.memory_space<semaphore_mem>>) {add = true}
        %dma_wait3A_82 = arith.constant 0 : i32
        %dma_wait3A_83 = tpu.memref_slice %arg7[%add3A_49, %dma_wait3A_82] : memref<157x128xi32, #tpu.memory_space<vmem>> -> memref<1x128xi32, #tpu.memory_space<vmem>>
        %dma_wait3A_84 = tpu.memref_squeeze %dma_wait3A_83 : memref<1x128xi32, #tpu.memory_space<vmem>> -> memref<128xi32, #tpu.memory_space<vmem>>
        %dma_wait3A_85 = arith.constant 0 : i32
        %dma_wait3A_86 = arith.constant 0 : i32
        %dma_wait3A_87 = tpu.memref_slice %arg12[%dma_wait3A_85, %dma_wait3A_86] : memref<5248x128xf32, #tpu.memory_space<vmem_shared>> -> memref<5248x128xf32, #tpu.memory_space<vmem_shared>>
        tpu.wait_indirect_dma semaphore(%run_scoped3A_75 : memref<!tpu.dma_semaphore, #tpu.memory_space<semaphore_mem>>) src(%arg9 : memref<128x128xf32, #tpu.memory_space<vmem>>) dst(%dma_wait3A_87 : memref<5248x128xf32, #tpu.memory_space<vmem_shared>>)
        tpu.yield
      }) : () -> ()
      %scan3A_74 = arith.constant 0 : i32
      scf.yield %scan3A_74 : i32
    }
    %scan3A_30 = arith.constant 78 : i32
    %dma_start3A = arith.constant 156 : i32
    %dma_start3A_31 = arith.constant 0 : i32
    %dma_start3A_32 = tpu.memref_slice %arg6[%dma_start3A, %dma_start3A_31] : memref<157x128xi32, #tpu.memory_space<vmem>> -> memref<1x128xi32, #tpu.memory_space<vmem>>
    %dma_start3A_33 = tpu.memref_squeeze %dma_start3A_32 : memref<1x128xi32, #tpu.memory_space<vmem>> -> memref<128xi32, #tpu.memory_space<vmem>>
    %dma_start3A_34 = arith.constant 0 : i32
    %dma_start3A_35 = arith.constant 0 : i32
    %dma_start3A_36 = tpu.memref_slice %arg2[%dma_start3A_34, %dma_start3A_35] : memref<10000x128xf32, #tpu.memory_space<hbm>> -> memref<10000x128xf32, #tpu.memory_space<hbm>>
    tpu.enqueue_indirect_dma source(%dma_start3A_36 : memref<10000x128xf32, #tpu.memory_space<hbm>>) target(%arg8 : memref<128x128xf32, #tpu.memory_space<vmem>>) offsets(%dma_start3A_33 : memref<128xi32, #tpu.memory_space<vmem>>) semaphore(%arg10 : memref<!tpu.dma_semaphore, #tpu.memory_space<semaphore_mem>>)
    %dma_wait3A = arith.constant 156 : i32
    %dma_wait3A_37 = arith.constant 0 : i32
    %dma_wait3A_38 = tpu.memref_slice %arg6[%dma_wait3A, %dma_wait3A_37] : memref<157x128xi32, #tpu.memory_space<vmem>> -> memref<1x128xi32, #tpu.memory_space<vmem>>
    %dma_wait3A_39 = tpu.memref_squeeze %dma_wait3A_38 : memref<1x128xi32, #tpu.memory_space<vmem>> -> memref<128xi32, #tpu.memory_space<vmem>>
    %dma_wait3A_40 = arith.constant 0 : i32
    %dma_wait3A_41 = arith.constant 0 : i32
    %dma_wait3A_42 = tpu.memref_slice %arg2[%dma_wait3A_40, %dma_wait3A_41] : memref<10000x128xf32, #tpu.memory_space<hbm>> -> memref<10000x128xf32, #tpu.memory_space<hbm>>
    tpu.wait_indirect_dma semaphore(%arg10 : memref<!tpu.dma_semaphore, #tpu.memory_space<semaphore_mem>>) src(%dma_wait3A_42 : memref<10000x128xf32, #tpu.memory_space<hbm>>) dst(%arg8 : memref<128x128xf32, #tpu.memory_space<vmem>>)
    %run_scoped3A = arith.constant 156 : i32
    "tpu.region"() ({
      %run_scoped3A_44 = tpu.sem_alloc : memref<!tpu.dma_semaphore, #tpu.memory_space<semaphore_mem>>
      %dma_start3A_45 = arith.constant 0 : i32
      %dma_start3A_46 = tpu.memref_slice %arg7[%run_scoped3A, %dma_start3A_45] : memref<157x128xi32, #tpu.memory_space<vmem>> -> memref<1x128xi32, #tpu.memory_space<vmem>>
      %dma_start3A_47 = tpu.memref_squeeze %dma_start3A_46 : memref<1x128xi32, #tpu.memory_space<vmem>> -> memref<128xi32, #tpu.memory_space<vmem>>
      %dma_start3A_48 = arith.constant 0 : i32
      %dma_start3A_49 = arith.constant 0 : i32
      %dma_start3A_50 = tpu.memref_slice %arg12[%dma_start3A_48, %dma_start3A_49] : memref<5248x128xf32, #tpu.memory_space<vmem_shared>> -> memref<5248x128xf32, #tpu.memory_space<vmem_shared>>
      tpu.enqueue_indirect_dma source(%arg8 : memref<128x128xf32, #tpu.memory_space<vmem>>) target(%dma_start3A_50 : memref<5248x128xf32, #tpu.memory_space<vmem_shared>>) offsets(%dma_start3A_47 : memref<128xi32, #tpu.memory_space<vmem>>) semaphore(%run_scoped3A_44 : memref<!tpu.dma_semaphore, #tpu.memory_space<semaphore_mem>>) {add = true}
      %dma_wait3A_51 = arith.constant 0 : i32
      %dma_wait3A_52 = tpu.memref_slice %arg7[%run_scoped3A, %dma_wait3A_51] : memref<157x128xi32, #tpu.memory_space<vmem>> -> memref<1x128xi32, #tpu.memory_space<vmem>>
      %dma_wait3A_53 = tpu.memref_squeeze %dma_wait3A_52 : memref<1x128xi32, #tpu.memory_space<vmem>> -> memref<128xi32, #tpu.memory_space<vmem>>
      %dma_wait3A_54 = arith.constant 0 : i32
      %dma_wait3A_55 = arith.constant 0 : i32
      %dma_wait3A_56 = tpu.memref_slice %arg12[%dma_wait3A_54, %dma_wait3A_55] : memref<5248x128xf32, #tpu.memory_space<vmem_shared>> -> memref<5248x128xf32, #tpu.memory_space<vmem_shared>>
      tpu.wait_indirect_dma semaphore(%run_scoped3A_44 : memref<!tpu.dma_semaphore, #tpu.memory_space<semaphore_mem>>) src(%arg8 : memref<128x128xf32, #tpu.memory_space<vmem>>) dst(%dma_wait3A_56 : memref<5248x128xf32, #tpu.memory_space<vmem_shared>>)
      tpu.yield
    }) : () -> ()
    %barrier3A_43 = arith.constant 0 : index
    tpu.barrier barrier_id(%barrier3A_43)
    "tpu.region"() ({
      %run_scoped3A_44 = tpu.sem_alloc : memref<!tpu.dma_semaphore, #tpu.memory_space<semaphore_mem>>
      %dma_start3A_45 = arith.constant 0 : i32
      %dma_start3A_46 = tpu.memref_slice %arg5[%arg0, %mul3A_9, %dma_start3A_45] : memref<2x5248x128xf32, #tpu.memory_space<hbm>> -> memref<1x328x128xf32, #tpu.memory_space<hbm>>
      %dma_start3A_47 = tpu.memref_squeeze %dma_start3A_46 : memref<1x328x128xf32, #tpu.memory_space<hbm>> -> memref<328x128xf32, #tpu.memory_space<hbm>>
      %dma_start3A_48 = arith.constant 0 : i32
      %dma_start3A_49 = tpu.memref_slice %arg12[%mul3A_9, %dma_start3A_48] : memref<5248x128xf32, #tpu.memory_space<vmem_shared>> -> memref<328x128xf32, #tpu.memory_space<vmem_shared>>
      tpu.enqueue_dma source(%dma_start3A_49 : memref<328x128xf32, #tpu.memory_space<vmem_shared>>) target(%dma_start3A_47 : memref<328x128xf32, #tpu.memory_space<hbm>>) target_semaphore(%run_scoped3A_44 : memref<!tpu.dma_semaphore, #tpu.memory_space<semaphore_mem>>)
      %dma_wait3A_50 = arith.constant 0 : i32
      %dma_wait3A_51 = tpu.memref_slice %arg5[%arg0, %mul3A_9, %dma_wait3A_50] : memref<2x5248x128xf32, #tpu.memory_space<hbm>> -> memref<1x328x128xf32, #tpu.memory_space<hbm>>
      %dma_wait3A_52 = tpu.memref_squeeze %dma_wait3A_51 : memref<1x328x128xf32, #tpu.memory_space<hbm>> -> memref<328x128xf32, #tpu.memory_space<hbm>>
      %dma_wait3A_53 = arith.constant 0 : i32
      %dma_wait3A_54 = tpu.memref_slice %arg12[%mul3A_9, %dma_wait3A_53] : memref<5248x128xf32, #tpu.memory_space<vmem_shared>> -> memref<328x128xf32, #tpu.memory_space<vmem_shared>>
      tpu.wait_dma2 semaphore(%run_scoped3A_44 : memref<!tpu.dma_semaphore, #tpu.memory_space<semaphore_mem>>) src(%dma_wait3A_54 : memref<328x128xf32, #tpu.memory_space<vmem_shared>>) dst(%dma_wait3A_52 : memref<328x128xf32, #tpu.memory_space<hbm>>)
      tpu.yield
    }) : () -> ()
    return
  }
}

module attributes {stable_mosaic.version = 14 : i64} {
  func.func @_mm2_body(%arg0: i32, %arg1: memref<1000x128xf32, #tpu.memory_space<vmem>>, %arg2: memref<128x128xf32, #tpu.memory_space<vmem>>, %arg3: memref<128x128xf32, #tpu.memory_space<vmem>>, %arg4: memref<1000x128xf32, #tpu.memory_space<vmem>>, %arg5: memref<1000x128xf32, #tpu.memory_space<vmem>>) attributes {dimension_semantics = [#tpu.dimension_semantics<arbitrary>], iteration_bounds = array<i64: 10>, scalar_prefetch = 0 : i64, scratch_operands = 0 : i64, tpu.core_type = #tpu.core_type<tc>, window_params = [{transform_indices = @transform_0, window_bounds = array<i64: 1000, 128>}, {pipeline_mode = #tpu.pipeline_mode<synchronous>, transform_indices = @transform_1, window_bounds = array<i64: 128, 128>}, {pipeline_mode = #tpu.pipeline_mode<synchronous>, transform_indices = @transform_2, window_bounds = array<i64: 128, 128>}, {transform_indices = @transform_3, window_bounds = array<i64: 1000, 128>}, {transform_indices = @transform_4, window_bounds = array<i64: 1000, 128>}]} {
    %get3A = arith.constant 0 : index
    %get3A_0 = arith.constant 0 : index
    %get3A_1 = vector.load %arg1[%get3A, %get3A_0] : memref<1000x128xf32, #tpu.memory_space<vmem>>, vector<1000x128xf32>
    %get3A_2 = arith.constant 0 : index
    %get3A_3 = arith.constant 0 : index
    %get3A_4 = vector.load %arg2[%get3A_2, %get3A_3] : memref<128x128xf32, #tpu.memory_space<vmem>>, vector<128x128xf32>
    %dot_general3A = arith.constant dense<0.000000e+00> : vector<1000x128xf32>
    %dot_general3A_5 = tpu.matmul %get3A_1, %get3A_4, %dot_general3A {dimension_numbers = #tpu.dot_dimension_numbers<[1], [1], [0], [0], [0, 0, 1, 0], [], []>, transpose_lhs_hint = false} : vector<1000x128xf32>, vector<128x128xf32>, vector<1000x128xf32> -> vector<1000x128xf32>
    %swap3A = arith.constant 0 : index
    %swap3A_6 = arith.constant 0 : index
    %swap3A_7 = vector.load %arg4[%swap3A, %swap3A_6] : memref<1000x128xf32, #tpu.memory_space<vmem>>, vector<1000x128xf32>
    tpu.vector_store %arg4[%swap3A, %swap3A_6], %dot_general3A_5 {strides = array<i32>} : memref<1000x128xf32, #tpu.memory_space<vmem>>, vector<1000x128xf32>,
    %get3A_8 = arith.constant 0 : index
    %get3A_9 = arith.constant 0 : index
    %get3A_10 = vector.load %arg3[%get3A_8, %get3A_9] : memref<128x128xf32, #tpu.memory_space<vmem>>, vector<128x128xf32>
    %dot_general3A_11 = arith.constant dense<0.000000e+00> : vector<1000x128xf32>
    %dot_general3A_12 = tpu.matmul %get3A_1, %get3A_10, %dot_general3A_11 {dimension_numbers = #tpu.dot_dimension_numbers<[1], [1], [0], [0], [0, 0, 1, 0], [], []>, transpose_lhs_hint = false} : vector<1000x128xf32>, vector<128x128xf32>, vector<1000x128xf32> -> vector<1000x128xf32>
    %swap3A_13 = arith.constant 0 : index
    %swap3A_14 = arith.constant 0 : index
    %swap3A_15 = vector.load %arg5[%swap3A_13, %swap3A_14] : memref<1000x128xf32, #tpu.memory_space<vmem>>, vector<1000x128xf32>
    tpu.vector_store %arg5[%swap3A_13, %swap3A_14], %dot_general3A_12 {strides = array<i32>} : memref<1000x128xf32, #tpu.memory_space<vmem>>, vector<1000x128xf32>,
    return
  }
  func.func @transform_0(%arg0: i32) -> (i32, i32) {
    %c0_i32 = arith.constant 0 : i32
    %c0_i32_0 = arith.constant 0 : i32
    return %arg0, %c0_i32 : i32, i32
  }
  func.func @transform_1(%arg0: i32) -> (i32, i32) {
    %c0_i32 = arith.constant 0 : i32
    %c0_i32_0 = arith.constant 0 : i32
    %c0_i32_1 = arith.constant 0 : i32
    return %c0_i32, %c0_i32_0 : i32, i32
  }
  func.func @transform_2(%arg0: i32) -> (i32, i32) {
    %c0_i32 = arith.constant 0 : i32
    %c0_i32_0 = arith.constant 0 : i32
    %c0_i32_1 = arith.constant 0 : i32
    return %c0_i32, %c0_i32_0 : i32, i32
  }
  func.func @transform_3(%arg0: i32) -> (i32, i32) {
    %c0_i32 = arith.constant 0 : i32
    %c0_i32_0 = arith.constant 0 : i32
    return %arg0, %c0_i32 : i32, i32
  }
  func.func @transform_4(%arg0: i32) -> (i32, i32) {
    %c0_i32 = arith.constant 0 : i32
    %c0_i32_0 = arith.constant 0 : i32
    return %arg0, %c0_i32 : i32, i32
  }
}

module attributes {stable_mosaic.version = 14 : i64} {
  func.func @_cnt_body(%arg0: memref<2x16x5248xf32, #tpu.memory_space<vmem>>, %arg1: memref<2x5248xf32, #tpu.memory_space<vmem>>) attributes {dimension_semantics = [], scalar_prefetch = 0 : i64, scratch_operands = 0 : i64, tpu.core_type = #tpu.core_type<tc>} {
    %get3A = arith.constant 0 : index
    %get3A_0 = arith.constant 0 : index
    %get3A_1 = arith.constant 0 : index
    %get3A_2 = vector.load %arg0[%get3A, %get3A_0, %get3A_1] : memref<2x16x5248xf32, #tpu.memory_space<vmem>>, vector<2x16x5248xf32>
    %reduce_sum3A = arith.constant dense<0.000000e+00> : vector<2x5248xf32>
    %reduce_sum3A_3 = vector.multi_reduction <add>, %get3A_2, %reduce_sum3A [1] : vector<2x16x5248xf32> to vector<2x5248xf32>
    %swap3A = arith.constant 0 : index
    %swap3A_4 = arith.constant 0 : index
    %swap3A_5 = vector.load %arg1[%swap3A, %swap3A_4] : memref<2x5248xf32, #tpu.memory_space<vmem>>, vector<2x5248xf32>
    tpu.vector_store %arg1[%swap3A, %swap3A_4], %reduce_sum3A_3 {strides = array<i32>} : memref<2x5248xf32, #tpu.memory_space<vmem>>, vector<2x5248xf32>,
    return
  }
}

module attributes {stable_mosaic.version = 14 : i64} {
  func.func @_mid_body(%arg0: i32, %arg1: memref<1000x128xf32, #tpu.memory_space<vmem>>, %arg2: memref<1000x1xf32, #tpu.memory_space<vmem>>, %arg3: memref<1000x128xf32, #tpu.memory_space<vmem>>, %arg4: memref<1x128xf32, #tpu.memory_space<vmem>>, %arg5: memref<128x128xf32, #tpu.memory_space<vmem>>, %arg6: memref<128x128xf32, #tpu.memory_space<vmem>>, %arg7: memref<1000x128xf32, #tpu.memory_space<vmem>>, %arg8: memref<1000x128xf32, #tpu.memory_space<vmem>>) attributes {dimension_semantics = [#tpu.dimension_semantics<arbitrary>], iteration_bounds = array<i64: 10>, scalar_prefetch = 0 : i64, scratch_operands = 0 : i64, tpu.core_type = #tpu.core_type<tc>, window_params = [{transform_indices = @transform_0, window_bounds = array<i64: 1000, 128>}, {transform_indices = @transform_1, window_bounds = array<i64: 1000, 1>}, {transform_indices = @transform_2, window_bounds = array<i64: 1000, 128>}, {pipeline_mode = #tpu.pipeline_mode<synchronous>, transform_indices = @transform_3, window_bounds = array<i64: 1, 128>}, {pipeline_mode = #tpu.pipeline_mode<synchronous>, transform_indices = @transform_4, window_bounds = array<i64: 128, 128>}, {pipeline_mode = #tpu.pipeline_mode<synchronous>, transform_indices = @transform_5, window_bounds = array<i64: 128, 128>}, {transform_indices = @transform_6, window_bounds = array<i64: 1000, 128>}, {transform_indices = @transform_7, window_bounds = array<i64: 1000, 128>}]} {
    %get3A = arith.constant 0 : index
    %get3A_0 = arith.constant 0 : index
    %get3A_1 = vector.load %arg2[%get3A, %get3A_0] : memref<1000x1xf32, #tpu.memory_space<vmem>>, vector<1000x1xf32>
    %max3A = arith.constant 1.000000e+00 : f32
    %max3A_2 = vector.broadcast %max3A : f32 to vector<1000x1xf32>
    %max3A_3 = arith.maximumf %get3A_1, %max3A_2 : vector<1000x1xf32>
    %div3A = arith.constant 1.000000e+00 : f32
    %div3A_4 = vector.broadcast %div3A : f32 to vector<1000x1xf32>
    %div3A_5 = arith.divf %div3A_4, %max3A_3 : vector<1000x1xf32>
    %get3A_6 = arith.constant 0 : index
    %get3A_7 = arith.constant 0 : index
    %get3A_8 = vector.load %arg1[%get3A_6, %get3A_7] : memref<1000x128xf32, #tpu.memory_space<vmem>>, vector<1000x128xf32>
    %mul3A = vector.broadcast %div3A_5 : vector<1000x1xf32> to vector<1000x128xf32>
    %mul3A_9 = arith.mulf %get3A_8, %mul3A : vector<1000x128xf32>
    %get3A_10 = arith.constant 0 : index
    %get3A_11 = arith.constant 0 : index
    %get3A_12 = vector.load %arg4[%get3A_10, %get3A_11] : memref<1x128xf32, #tpu.memory_space<vmem>>, vector<1x128xf32>
    %add3A = vector.broadcast %get3A_12 : vector<1x128xf32> to vector<1000x128xf32>
    %add3A_13 = arith.addf %mul3A_9, %add3A : vector<1000x128xf32>
    %get3A_14 = arith.constant 0 : index
    %get3A_15 = arith.constant 0 : index
    %get3A_16 = vector.load %arg3[%get3A_14, %get3A_15] : memref<1000x128xf32, #tpu.memory_space<vmem>>, vector<1000x128xf32>
    %add3A_17 = arith.addf %add3A_13, %get3A_16 : vector<1000x128xf32>
    %max3A_18 = arith.constant 0.000000e+00 : f32
    %max3A_19 = vector.broadcast %max3A_18 : f32 to vector<1000x128xf32>
    %max3A_20 = arith.maximumf %add3A_17, %max3A_19 : vector<1000x128xf32>
    %get3A_21 = arith.constant 0 : index
    %get3A_22 = arith.constant 0 : index
    %get3A_23 = vector.load %arg5[%get3A_21, %get3A_22] : memref<128x128xf32, #tpu.memory_space<vmem>>, vector<128x128xf32>
    %dot_general3A = arith.constant dense<0.000000e+00> : vector<1000x128xf32>
    %dot_general3A_24 = tpu.matmul %max3A_20, %get3A_23, %dot_general3A {dimension_numbers = #tpu.dot_dimension_numbers<[1], [1], [0], [0], [0, 0, 1, 0], [], []>, transpose_lhs_hint = false} : vector<1000x128xf32>, vector<128x128xf32>, vector<1000x128xf32> -> vector<1000x128xf32>
    %swap3A = arith.constant 0 : index
    %swap3A_25 = arith.constant 0 : index
    %swap3A_26 = vector.load %arg7[%swap3A, %swap3A_25] : memref<1000x128xf32, #tpu.memory_space<vmem>>, vector<1000x128xf32>
    tpu.vector_store %arg7[%swap3A, %swap3A_25], %dot_general3A_24 {strides = array<i32>} : memref<1000x128xf32, #tpu.memory_space<vmem>>, vector<1000x128xf32>,
    %get3A_27 = arith.constant 0 : index
    %get3A_28 = arith.constant 0 : index
    %get3A_29 = vector.load %arg6[%get3A_27, %get3A_28] : memref<128x128xf32, #tpu.memory_space<vmem>>, vector<128x128xf32>
    %dot_general3A_30 = arith.constant dense<0.000000e+00> : vector<1000x128xf32>
    %dot_general3A_31 = tpu.matmul %max3A_20, %get3A_29, %dot_general3A_30 {dimension_numbers = #tpu.dot_dimension_numbers<[1], [1], [0], [0], [0, 0, 1, 0], [], []>, transpose_lhs_hint = false} : vector<1000x128xf32>, vector<128x128xf32>, vector<1000x128xf32> -> vector<1000x128xf32>
    %swap3A_32 = arith.constant 0 : index
    %swap3A_33 = arith.constant 0 : index
    %swap3A_34 = vector.load %arg8[%swap3A_32, %swap3A_33] : memref<1000x128xf32, #tpu.memory_space<vmem>>, vector<1000x128xf32>
    tpu.vector_store %arg8[%swap3A_32, %swap3A_33], %dot_general3A_31 {strides = array<i32>} : memref<1000x128xf32, #tpu.memory_space<vmem>>, vector<1000x128xf32>,
    return
  }
  func.func @transform_0(%arg0: i32) -> (i32, i32) {
    %c0_i32 = arith.constant 0 : i32
    %c0_i32_0 = arith.constant 0 : i32
    return %arg0, %c0_i32 : i32, i32
  }
  func.func @transform_1(%arg0: i32) -> (i32, i32) {
    %c0_i32 = arith.constant 0 : i32
    %c0_i32_0 = arith.constant 0 : i32
    return %arg0, %c0_i32 : i32, i32
  }
  func.func @transform_2(%arg0: i32) -> (i32, i32) {
    %c0_i32 = arith.constant 0 : i32
    %c0_i32_0 = arith.constant 0 : i32
    return %arg0, %c0_i32 : i32, i32
  }
  func.func @transform_3(%arg0: i32) -> (i32, i32) {
    %c0_i32 = arith.constant 0 : i32
    %c0_i32_0 = arith.constant 0 : i32
    %c0_i32_1 = arith.constant 0 : i32
    return %c0_i32, %c0_i32_0 : i32, i32
  }
  func.func @transform_4(%arg0: i32) -> (i32, i32) {
    %c0_i32 = arith.constant 0 : i32
    %c0_i32_0 = arith.constant 0 : i32
    %c0_i32_1 = arith.constant 0 : i32
    return %c0_i32, %c0_i32_0 : i32, i32
  }
  func.func @transform_5(%arg0: i32) -> (i32, i32) {
    %c0_i32 = arith.constant 0 : i32
    %c0_i32_0 = arith.constant 0 : i32
    %c0_i32_1 = arith.constant 0 : i32
    return %c0_i32, %c0_i32_0 : i32, i32
  }
  func.func @transform_6(%arg0: i32) -> (i32, i32) {
    %c0_i32 = arith.constant 0 : i32
    %c0_i32_0 = arith.constant 0 : i32
    return %arg0, %c0_i32 : i32, i32
  }
  func.func @transform_7(%arg0: i32) -> (i32, i32) {
    %c0_i32 = arith.constant 0 : i32
    %c0_i32_0 = arith.constant 0 : i32
    return %arg0, %c0_i32 : i32, i32
  }
}

module attributes {stable_mosaic.version = 14 : i64} {
  func.func @_fin_body(%arg0: i32, %arg1: memref<1000x128xf32, #tpu.memory_space<vmem>>, %arg2: memref<1000x1xf32, #tpu.memory_space<vmem>>, %arg3: memref<1000x128xf32, #tpu.memory_space<vmem>>, %arg4: memref<1x128xf32, #tpu.memory_space<vmem>>, %arg5: memref<1000x128xf32, #tpu.memory_space<vmem>>) attributes {dimension_semantics = [#tpu.dimension_semantics<arbitrary>], iteration_bounds = array<i64: 10>, scalar_prefetch = 0 : i64, scratch_operands = 0 : i64, tpu.core_type = #tpu.core_type<tc>, window_params = [{transform_indices = @transform_0, window_bounds = array<i64: 1000, 128>}, {transform_indices = @transform_1, window_bounds = array<i64: 1000, 1>}, {transform_indices = @transform_2, window_bounds = array<i64: 1000, 128>}, {pipeline_mode = #tpu.pipeline_mode<synchronous>, transform_indices = @transform_3, window_bounds = array<i64: 1, 128>}, {transform_indices = @transform_4, window_bounds = array<i64: 1000, 128>}]} {
    %get3A = arith.constant 0 : index
    %get3A_0 = arith.constant 0 : index
    %get3A_1 = vector.load %arg2[%get3A, %get3A_0] : memref<1000x1xf32, #tpu.memory_space<vmem>>, vector<1000x1xf32>
    %max3A = arith.constant 1.000000e+00 : f32
    %max3A_2 = vector.broadcast %max3A : f32 to vector<1000x1xf32>
    %max3A_3 = arith.maximumf %get3A_1, %max3A_2 : vector<1000x1xf32>
    %div3A = arith.constant 1.000000e+00 : f32
    %div3A_4 = vector.broadcast %div3A : f32 to vector<1000x1xf32>
    %div3A_5 = arith.divf %div3A_4, %max3A_3 : vector<1000x1xf32>
    %get3A_6 = arith.constant 0 : index
    %get3A_7 = arith.constant 0 : index
    %get3A_8 = vector.load %arg1[%get3A_6, %get3A_7] : memref<1000x128xf32, #tpu.memory_space<vmem>>, vector<1000x128xf32>
    %mul3A = vector.broadcast %div3A_5 : vector<1000x1xf32> to vector<1000x128xf32>
    %mul3A_9 = arith.mulf %get3A_8, %mul3A : vector<1000x128xf32>
    %get3A_10 = arith.constant 0 : index
    %get3A_11 = arith.constant 0 : index
    %get3A_12 = vector.load %arg4[%get3A_10, %get3A_11] : memref<1x128xf32, #tpu.memory_space<vmem>>, vector<1x128xf32>
    %add3A = vector.broadcast %get3A_12 : vector<1x128xf32> to vector<1000x128xf32>
    %add3A_13 = arith.addf %mul3A_9, %add3A : vector<1000x128xf32>
    %get3A_14 = arith.constant 0 : index
    %get3A_15 = arith.constant 0 : index
    %get3A_16 = vector.load %arg3[%get3A_14, %get3A_15] : memref<1000x128xf32, #tpu.memory_space<vmem>>, vector<1000x128xf32>
    %add3A_17 = arith.addf %add3A_13, %get3A_16 : vector<1000x128xf32>
    %swap3A = arith.constant 0 : index
    %swap3A_18 = arith.constant 0 : index
    %swap3A_19 = vector.load %arg5[%swap3A, %swap3A_18] : memref<1000x128xf32, #tpu.memory_space<vmem>>, vector<1000x128xf32>
    tpu.vector_store %arg5[%swap3A, %swap3A_18], %add3A_17 {strides = array<i32>} : memref<1000x128xf32, #tpu.memory_space<vmem>>, vector<1000x128xf32>,
    return
  }
  func.func @transform_0(%arg0: i32) -> (i32, i32) {
    %c0_i32 = arith.constant 0 : i32
    %c0_i32_0 = arith.constant 0 : i32
    return %arg0, %c0_i32 : i32, i32
  }
  func.func @transform_1(%arg0: i32) -> (i32, i32) {
    %c0_i32 = arith.constant 0 : i32
    %c0_i32_0 = arith.constant 0 : i32
    return %arg0, %c0_i32 : i32, i32
  }
  func.func @transform_2(%arg0: i32) -> (i32, i32) {
    %c0_i32 = arith.constant 0 : i32
    %c0_i32_0 = arith.constant 0 : i32
    return %arg0, %c0_i32 : i32, i32
  }
  func.func @transform_3(%arg0: i32) -> (i32, i32) {
    %c0_i32 = arith.constant 0 : i32
    %c0_i32_0 = arith.constant 0 : i32
    %c0_i32_1 = arith.constant 0 : i32
    return %c0_i32, %c0_i32_0 : i32, i32
  }
  func.func @transform_4(%arg0: i32) -> (i32, i32) {
    %c0_i32 = arith.constant 0 : i32
    %c0_i32_0 = arith.constant 0 : i32
    return %arg0, %c0_i32 : i32, i32
  }
}

</mosaic_0001>

<sc_bundles>
// kernel: kernel.11.cloned.1.call-start
scs
__scs_entry_jumppad:
0x0: {  	(pc) =	sbr.rel $0x88, $3  }
0x1: {  	(tag) =	ssettag $0x0;
	lr =	simm.s32 $0x1  }
0x2: {  	[smem:$0x3F99] =	sst lr;
	_ =	strace $0xD0000000  }
0x3: {  	_ = 	snop  }
0x4: {  	_ = 	snop  }
0x5: {  	_ = 	snop  }
0x6: {  	_ = 	snop  }
0x7: {  	_ = 	snop  }
__scs_overlays_trampoline_lowered:
0x8: {  	[smem:$0x3FA8] =	sst s0  }
0x9: {  	[smem:$0x3FA9] =	sst s1  }
0xa: {  	[smem:$0x3FAA] =	sst s2  }
0xb: {  	[smem:$0x3FAB] =	sst s3  }
0xc: {  	[smem:$0x3FAC] =	sst s4  }
0xd: {  	[smem:$0x3FAD] =	sst s5  }
0xe: {  	[smem:$0x3FAE] =	sst s6  }
0xf: {  	[smem:$0x3FAF] =	sst s7  }
0x10: {  	[smem:$0x3FB0] =	sst s8  }
0x11: {  	[smem:$0x3FB1] =	sst s9;
	s0 =	simm.s32 @!p0 $0x0  }
0x12: {  	s1 =	sld [smem:$0x3F97];
	s0 =	simm.s32 @p0 $0x1  }
0x13: {  	[smem:$0x3FB2] =	sst s0;
	s0 =	simm.s32 @!p1 $0x0  }
0x14: {  	s2 =	sld [smem:$0x3F96];
	s0 =	simm.s32 @p1 $0x1  }
0x15: {  	[smem:$0x3FB3] =	sst s0;
	s0 =	simm.s32 @!p2 $0x0  }
0x16: {  	s3 =	sld [smem:$0x3FDB];
	s0 =	simm.s32 @p2 $0x1  }
0x17: {  	s4 =	simm.s32 $0x1BF5;
	[smem:$0x3FB5] =	sst s0  }
0x18: {  	s0 =	sld [smem:$0x3F98];
	_ =	swait.ge [sflag:s4], $0x0  }
0x19: {  	s7 =	sld [smem:$0x3F99]  }
0x1a: {  	s8 =	sadd.s32 $0xFFFFE003, lr  }
0x1b: {  	s9 =	sadd.s32 $0xFFFFFEF7, lr;
	s5 =	simm.s32 $0xFFFFFFFF;
	p2 =	slt.u32 s8, $0xFFFFF086  }
0x1c: {  	p1 =	slt.u32 s9, $0xF7A;
	s5 =	simm.s32 @!p2 $0x0  }
0x1d: {  	s5 =	simm.s32 @p1 $0x1;
	p0 =	seq.s32 s7, s2  }
0x1e: {  	s7 =	smul.u32 @!p0 $0xF7A, s2;
	p2 =	seq.s32 @!p0 s5, $0x0  }
0x1f: {  	s9 =	smul.u32 $0xF7A, s1;
	s8 =	simm.s32 @!p0 $0x1BF5;
	p2 =	por !p2, p0  }
0x20: {  	[sflag:s8] =	ssyncset.s32 @!p0 $0xFFFFF086;
	s6 =	sadd.s32 @!p0 s3, s7;
	s7 =	simm.s32 @!p0 $0x108  }
0x21: {  	s3 =	sadd.s32 s3, s9;
	s6 =	sadd.s32 @!p0 $0x88, s6;
	s7 =	simm.s32 @p2 $0x1082  }
0x22: {  	[simem:s7], [sflag:s8] =	dma.local @!p0 [hbm:s6], $0xF7A  }
0x23: {  	s9 =	sor.u32 $0xD0000000, s2;
	s6 =	simm.s32 $0x108;
	_ =	swait.ge @!p0 [sflag:s8], $0x0  }
0x24: {  	s3 =	sadd.s32 $0x88, s3;
	s6 =	simm.s32 @!p1 $0x1082;
	[sflag:s4] =	ssyncset.s32 $0xFFFFF086  }
0x25: {  	[simem:s6], [sflag:s4] =	dma.local [hbm:s3], $0xF7A  }
0x26: {  	[smem:$0x3F99] =	sst s1;
	(tag) =	ssettag s2;
	_ =	strace s9  }
0x27: {  	s1 =	sld [smem:$0x3FA9]  }
0x28: {  	s2 =	sld [smem:$0x3FAA]  }
0x29: {  	s4 =	sld [smem:$0x3FAC]  }
0x2a: {  	p0 =	seq.s32 s5, $0x0;
	s5 =	sld [smem:$0x3FAD]  }
0x2b: {  	s6 =	sld [smem:$0x3FAE]  }
0x2c: {  	s7 =	sld [smem:$0x3FAF]  }
0x2d: {  	s3 =	simm.s32 $0x108;
	s8 =	sld [smem:$0x3FB0]  }
0x2e: {  	s3 =	simm.s32 @!p0 $0x1082;
	s9 =	sld [smem:$0x3FB1]  }
0x2f: {  	lr =	sadd.s32 s0, s3;
	s0 =	sld [smem:$0x3FA8]  }
0x30: {  	s3 =	sld [smem:$0x3FAB]  }
0x31: {  	[smem:$0x3FB4] =	sst s10  }
0x32: {  	s10 =	sld [smem:$0x3FB2];
	_ =	sdelay $0x3  }
0x33: {  	p0 =	seq.s32 s10, $0x1;
	s10 =	sld [smem:$0x3FB4];
	_ =	sdelay $0x3  }
0x34: {  	[smem:$0x3FB4] =	sst s10  }
0x35: {  	s10 =	sld [smem:$0x3FB3];
	_ =	sdelay $0x3  }
0x36: {  	p1 =	seq.s32 s10, $0x1;
	s10 =	sld [smem:$0x3FB4];
	_ =	sdelay $0x3  }
0x37: {  	[smem:$0x3FB4] =	sst s10  }
0x38: {  	s10 =	sld [smem:$0x3FB5]  }
0x39: {  	_ = 	snop;
	(pc) =	sbr.ind lr, $3  }
0x3a: {  	_ = 	snop  }
0x3b: {  	_ = 	snop  }
0x3c: {  	p2 =	seq.s32 s10, $0x1;
	s10 =	sld [smem:$0x3FB4]  }
0x3d: {  	_ =	shalt  }
0x3e: {  	_ =	shalt  }
0x3f: {  	_ =	shalt  }
0x40: {  	_ =	shalt  }
0x41: {  	_ =	shalt  }
0x42: {  	_ =	shalt  }
0x43: {  	_ =	shalt  }
0x44: {  	_ =	shalt  }
0x45: {  	_ =	shalt  }
0x46: {  	_ =	shalt  }
0x47: {  	_ =	shalt  }
0x48: {  	_ =	shalt  }
0x49: {  	_ =	shalt  }
0x4a: {  	_ =	shalt  }
0x4b: {  	_ =	shalt  }
0x4c: {  	_ =	shalt  }
0x4d: {  	_ =	shalt  }
0x4e: {  	_ =	shalt  }
0x4f: {  	_ =	shalt  }
0x50: {  	_ =	shalt  }
0x51: {  	_ =	shalt  }
0x52: {  	_ =	shalt  }
0x53: {  	_ =	shalt  }
0x54: {  	_ =	shalt  }
0x55: {  	_ =	shalt  }
0x56: {  	_ =	shalt  }
0x57: {  	_ =	shalt  }
0x58: {  	_ =	shalt  }
0x59: {  	_ =	shalt  }
0x5a: {  	_ =	shalt  }
0x5b: {  	_ =	shalt  }
0x5c: {  	_ =	shalt  }
0x5d: {  	_ =	shalt  }
0x5e: {  	_ =	shalt  }
0x5f: {  	_ =	shalt  }
0x60: {  	_ =	shalt  }
0x61: {  	_ =	shalt  }
0x62: {  	_ =	shalt  }
0x63: {  	_ =	shalt  }
0x64: {  	_ =	shalt  }
0x65: {  	_ =	shalt  }
0x66: {  	_ =	shalt  }
0x67: {  	_ =	shalt  }
0x68: {  	_ =	shalt  }
0x69: {  	_ =	shalt  }
0x6a: {  	_ =	shalt  }
0x6b: {  	_ =	shalt  }
0x6c: {  	_ =	shalt  }
0x6d: {  	_ =	shalt  }
0x6e: {  	_ =	shalt  }
0x6f: {  	_ =	shalt  }
0x70: {  	_ =	shalt  }
0x71: {  	_ =	shalt  }
0x72: {  	_ =	shalt  }
0x73: {  	_ =	shalt  }
0x74: {  	_ =	shalt  }
0x75: {  	_ =	shalt  }
0x76: {  	_ =	shalt  }
0x77: {  	_ =	shalt  }
0x78: {  	_ =	shalt  }
0x79: {  	_ =	shalt  }
0x7a: {  	_ =	shalt  }
0x7b: {  	_ =	shalt  }
0x7c: {  	_ =	shalt  }
0x7d: {  	_ =	shalt  }
0x7e: {  	_ =	shalt  }
0x7f: {  	_ =	shalt  }
0x80: {  	_ =	shalt  }
0x81: {  	_ =	shalt  }
0x82: {  	_ =	shalt  }
0x83: {  	_ =	shalt  }
0x84: {  	_ =	shalt  }
0x85: {  	_ =	shalt  }
0x86: {  	_ =	shalt  }
0x87: {  	_ =	shalt  }
.Lfunc_end0:
.L_simem_size_0:
called_computation.1_lowered:
.L_overlay_start_0:
0x88: {  	s2 =	sld [smem:$0x3FD9]  }
0x89: {  	s3 =	sld [smem:$0x3FFE];
	_ =	sdelay $0x1  }
0x8a: {  	s1 =	srdreg.scid  }
0x8b: {  	s0 =	sand.u32 $0x1, s1  }
0x8c: {  	s17 =	sshll.u32 s0, $0xA;
	s2 =	sadd.s32 s3, s2  }
0x8d: {  	s2 =	sadd.s32 s2, s17  }
0x8e: {  	[smem:$0x3FC0] =	sst s2  }
0x8f: {  	_ = 	snop  }
0x90: {  	s2 =	sld [smem:$0x3FD0];
	(tm) =	ssettm $0x1  }
0x91: {  	s18 =	sld [smem:$0x3FFB];
	_ =	sdelay $0x3  }
0x92: {  	_ =	strace s18  }
0x93: {  	s3 =	sld [smem:$0x3FFC];
	_ =	sdelay $0x3  }
0x94: {  	_ =	strace s3  }
0x95: {  	s3 =	sld [smem:$0x3FFD];
	_ =	sdelay $0x3  }
0x96: {  	_ =	strace s3  }
0x97: {  	_ =	strace $0x8FFFFFFF  }
0x98: {  	s19 =	sld [smem:$0x3FDB];
	_ =	sdelay $0x1  }
0x99: {  	s4 =	simm.s32 $_scs_section_size  }
0x9a: {  	s5 =	simm.s32 $_size__tile_overlayer_lowered;
	s6 =	simm.s32 $_tile_overlayer_lowered  }
0x9b: {  	s22 =	simm.s32 $0x1BFF;
	s21 =	sshll.u32 s6, $0x1;
	s3 =	sadd.s32 s4, s19  }
0x9c: {  	s7 =	simm.s32 $0x0;
	s20 =	sshll.u32 s5, $0x1;
	s5 =	sadd.s32 s21, s3  }
0x9d: {  	[timem:s7], [sflag:s22] =	dma.local [hbm:s5], s20  }
0x9e: {  	_ =	swait.ge [sflag:s22], s20  }
0x9f: {  	s4 =	ssub.s32 $0x0, s20;
	[sflag:s22] =	ssyncset.done $0x0  }
0xa0: {  	[sflag:s22] =	ssyncadd.s32 s4;
	_ =	sdelay $0x1  }
0xa1: {  	s23 =	simm.s32 $0x1B8B  }
0xa2: {  	_ =	swait.ge [sflag:s23], $0x1  }
0xa3: {  	[sflag:s23] =	ssyncset.done $0x0  }
0xa4: {  	s25 =	simm.s32 $0x1B8E;
	s24 =	sld [smem:$0x3FFE];
	[sflag:s23] =	ssyncadd.s32 $0xFFFFFFFF  }
0xa5: {  	s26 =	simm.s32 $execute0_lowered;
	[smem:$0x3FD2] =	sst s25  }
0xa6: {  	s5 =	sshll.u32 s26, $0x1;
	_ =	strace $0x80000049;
	[dreg:$0x1] =	wrdreg $0xFFFFFFFF  }
0xa7: {  	s28 =	simm.s32 $_size_execute0_lowered;
	s3 =	sadd.s32 s3, s5;
	[dreg:$0x0] =	wrdreg $0x0  }
0xa8: {  	s5 =	sshll.u32 s28, $0x1;
	[dreg:$0x2] =	wrdreg s3  }
0xa9: {  	[dreg:$0x3] =	wrdreg s5  }
0xaa: {  	[dreg:$0x4] =	wrdreg $0xC0  }
0xab: {  	_ =	task [dreg:s7], $0x5FFFF  }
0xac: {  	[dreg:$0x1] =	wrdreg $0xFFFFFFFF  }
0xad: {  	[dreg:$0x0] =	wrdreg $0x60  }
0xae: {  	[dreg:$0x2] =	wrdreg s2  }
0xaf: {  	[dreg:$0x3] =	wrdreg s24  }
0xb0: {  	[dreg:$0x4] =	wrdreg $0x120000  }
0xb1: {  	[dreg:$0x5] =	wrdreg $0x9  }
0xb2: {  	_ =	task.clear_ibuf [dreg:s7], $0x6FFFF;
	_ =	strace $0x90000049  }
0xb3: {  	s29 =	simm.s32 $0x9;
	_ =	strace $0x8000004B  }
0xb4: {  	_ =	swait.ge [sflag:s29], $0x1  }
0xb5: {  	[sflag:s29] =	ssyncadd.s32 $0xFFFFFFFF  }
0xb6: {  	_ =	strace $0x9000004B  }
0xb7: {  	_ =	sfence  }
0xb8: {  	s30 =	sld [smem:$0x0];
	_ =	sdelay $0x2  }
0xb9: {  	s31 =	sshll.u32 s1, $0xD;
	s1 =	sshrl.u32 s1, $0x2  }
0xba: {  	s3 =	sand.u32 $0x4000, s31;
	s1 =	sadd.s32 s1, s30  }
0xbb: {  	s0 =	sor.u32 s3, s0;
	s1 =	sshll.u32 s1, $0x11  }
0xbc: {  	s0 =	sor.u32 s1, s0  }
0xbd: {  	s0 =	sadd.s32 $0x8F2B, s0  }
0xbe: {  	[sflag:s0] =	ssyncadd.remote.s32 $0x1  }
0xbf: {  	_ =	sfence.sel $0xFFFF  }
0xc0: {  	[dreg:$0x0] =	wrdreg $0xFFFFFFFF;
	(pc) =	sbr.abs _section_cstart, $3  }
0xc1: {  	[dreg:$0x1] =	wrdreg $0xFFFFFFFF  }
0xc2: {  	_ =	task.clear_ibuf [dreg:s7], $0x2FFFF;
	_ =	strace $0x9FFFFFFF  }
0xc3: {  	(tm) =	ssettm $0x7FFFFFFF  }
tec
execute0_lowered:
.L_overlay_start_1:
0x0: {  	(tag) =	ssettag $0x1  }
0x1: {  	s1 =	rddreg [dreg:$0x0]  }
0x2: {  	s0 =	stileid.u32;
	s6 =	rddreg [dreg:$0x1]  }
0x3: {  	s2 =	srdreg.scid;
	s3 =	rddreg [dreg:$0x2];
	s4 =	simm.s32 $0x0  }
0x4: {  	s14 =	simm.s32 $0x5000;
	s15 =	simm.s32 $0x80;
	s16 =	simm.s32 $0xE000  }
0x5: {  	s17 =	simm.s32 $0x1;
	s19 =	simm.s32 $0x4E00;
	s5 =	smul.u32 $0xA00, s0  }
0x6: {  	s10 =	sand.u32 $0x1, s2;
	s2 =	rddreg [dreg:$0x3];
	s8 =	smul.u32 $0xA400, s0  }
0x7: {  	s20 =	simm.s32 $0x9E00;
	[smem:$0x7FF] =	sst s4;
	s9 =	smul.u32 $0x29000, s0  }
0x8: {  	s7 =	smul.u32 $0xA4000, s10;
	_ =	strace $0x8000004A;
	s29 =	ssub.s32 $0x2, s10  }
0x9: {  	s18 =	smul.u32 $0x1400, s10;
	s11 =	sadd.s32 s5, s6;
	s30 =	sshrl.u32 s9, $0x2  }
0xa: {  	s12 =	sshrl.u32 s29, $0x1;
	s28 =	sadd.s32 s8, s7;
	s5 =	sadd.s32 s30, s3  }
0xb: {  	s12 =	ssub.s32 s29, s12;
	s8 =	sadd.s32 $0xBE00, s11;
	s9 =	sadd.s32 $0x1E00, s11  }
0xc: {  	v0 =	vmov s18;
	s18 =	simm.s32 $0x2;
	s31 =	sshrl.u32 s28, $0x3;
	s7 =	sadd.s32 $0x8000, s5  }
0xd: {  	s11 =	smax.u32 s12, $0x1;
	s12 =	simm.s32 $0xA000;
	s13 =	sadd.s32 s31, s6  }
0xe: {  	v1 =	vimm.f32 $0.0e+00;
	s6 =	sadd.s32 $0x4000, s5;
	s10 =	sadd.s32 $0x15E00, s13;
	s13 =	simm.s32 $0x3  }
.LBB2_1:
0xf: {  	s21 =	simm.s32 $0x0;
	s22 =	simm.s32 $0x200  }
.LBB2_2:
0x10: {  	p0 =	sne.s32 s22, $0xFE00;
	[tilespmem:s21+$0xA070] =	vst v1  }
0x11: {  	[tilespmem:s21+$0xA000] =	vst v1  }
0x12: {  	[tilespmem:s21+$0xA010] =	vst v1  }
.Ltmp0:
0x13: {  	[tilespmem:s21+$0xA020] =	vst v1;
	(pc) =	sbr.rel @p0 .LBB2_2-.Ltmp0, $4  }
0x14: {  	[tilespmem:s21+$0xA030] =	vst v1  }
0x15: {  	[tilespmem:s21+$0xA040] =	vst v1  }
0x16: {  	[tilespmem:s21+$0xA050] =	vst v1  }
0x17: {  	[tilespmem:s21+$0xA060] =	vst v1;
	s21 =	sshra.s32 s22, $0x2;
	s22 =	sadd.s32 $0x200, s22  }
0x18: {  	[tilespmem:s21+$0xA070] =	vst v1  }
0x19: {  	[tilespmem:s21+$0xA000] =	vst v1  }
0x1a: {  	[tilespmem:s21+$0xA010] =	vst v1  }
0x1b: {  	[tilespmem:s21+$0xA020] =	vst v1  }
0x1c: {  	[tilespmem:s21+$0xA030] =	vst v1  }
0x1d: {  	[tilespmem:s21+$0xA040] =	vst v1  }
0x1e: {  	[tilespmem:s21+$0xA050] =	vst v1  }
0x1f: {  	[tilespmem:s21+$0xA060] =	vst v1  }
0x20: {  	[spmem:s5] =	stream.linear.scatter [tilespmem:s12], [sflag:$0x3], $0x4000, $0x38;
	[tilespmem:$0x1C400] =	vst v63  }
0x21: {  	_ =	swait.ge [sflag:s13], $0x4000  }
0x22: {  	[sflag:s13] =	ssyncset.done $0x0  }
0x23: {  	[sflag:s13] =	ssyncadd.s32 $0xFFFFC000  }
0x24: {  	[spmem:s6] =	stream.linear.scatter [tilespmem:s12], [sflag:$0x3], $0x4000, $0x38;
	[tilespmem:$0x1C400] =	vst v63  }
0x25: {  	_ =	swait.ge [sflag:s13], $0x4000  }
0x26: {  	[sflag:s13] =	ssyncset.done $0x0  }
0x27: {  	[sflag:s13] =	ssyncadd.s32 $0xFFFFC000  }
0x28: {  	[spmem:s7] =	stream.linear.scatter [tilespmem:s12], [sflag:$0x3], $0x2400, $0x38;
	[tilespmem:$0x1C400] =	vst v63  }
0x29: {  	_ =	swait.ge [sflag:s13], $0x2400  }
0x2a: {  	[sflag:s13] =	ssyncset.done $0x0  }
0x2b: {  	[sflag:s13] =	ssyncadd.s32 $0xFFFFDC00  }
0x2c: {  	s31 =	simm.s32 $0x0;
	[bflag:$0x0] =	sbarrier.arrive $0xFFFF  }
0x2d: {  	[tilespmem:s31], [sflag:$0x3] =	stream.linear.gather [hbm4b:s8+s31], $0x4E80, $0x38;
	[tilespmem:$0x1C400] =	vst v63  }
0x2e: {  	_ =	swait.ge [sflag:s13], $0x4E80  }
0x2f: {  	[sflag:s13] =	ssyncset.done $0x0  }
0x30: {  	[sflag:s13] =	ssyncadd.s32 $0xFFFFB180  }
0x31: {  	[tilespmem:s14], [sflag:$0x3] =	stream.linear.gather [hbm4b:s9+s31], $0x4E80, $0x38;
	[tilespmem:$0x1C400] =	vst v63  }
0x32: {  	_ =	swait.ge [sflag:s13], $0x4E80  }
0x33: {  	[sflag:s13] =	ssyncset.done $0x0  }
0x34: {  	s21 =	simm.s32 $0x0;
	[sflag:s13] =	ssyncadd.s32 $0xFFFFB180  }
0x35: {  	v2 =	vld [tilespmem:s21+$0x5000]  }
0x36: {  	v3 =	vld [tilespmem:s21+$0x5010];
	_ =	sdelay $0x2  }
0x37: {  	v4 =	vld [tilespmem:s21+$0x5020]  }
0x38: {  	v9 =	vld [tilespmem:s21+$0x5030]  }
0x39: {  	v5 =	vsub.s32 v2, v0;
	v2 =	vand.u32 $0x7F, v2;
	v7 =	vsub.s32 v3, v0  }
0x3a: {  	v6 =	vld [tilespmem:s21+$0x5040];
	v3 =	vand.u32 $0x7F, v3;
	vm0 =	vlt.u32 v5, $0x1400;
	v2 =	vor.u32 $0x1400, v2  }
0x3b: {  	v5 =	vsel vm0, v5, v2;
	vm0 =	vlt.u32 v7, $0x1400;
	v2 =	vor.u32 $0x1400, v3  }
0x3c: {  	v3 =	vsel vm0, v7, v2;
	v7 =	vsub.s32 v4, v0;
	v2 =	vand.u32 $0x7F, v4;
	v4 =	vld [tilespmem:s21+$0x5050]  }
0x3d: {  	v8 =	vsub.s32 v9, v0;
	vm0 =	vlt.u32 v7, $0x1400;
	v10 =	vor.u32 $0x1400, v2;
	v2 =	vld [tilespmem:s21+$0x5060]  }
0x3e: {  	s22 =	simm.s32 $0x200;
	v9 =	vand.u32 $0x7F, v9;
	v7 =	vsel vm0, v7, v10;
	vm0 =	vlt.u32 v8, $0x1400  }
.LBB2_4:
0x3f: {  	p0 =	sne.s32 s22, $0x13800;
	v9 =	vor.u32 $0x1400, v9;
	v10 =	vsub.s32 v6, v0;
	v6 =	vand.u32 $0x7F, v6;
	v11 =	vld [tilespmem:s21+$0x5070]  }
0x40: {  	s23 =	sshra.s32 s22, $0x2;
	[tilespmem:s21+$0x5000] =	vst v5;
	v5 =	vsel vm0, v8, v9;
	vm0 =	vlt.u32 v10, $0x1400;
	v6 =	vor.u32 $0x1400, v6  }
0x41: {  	v8 =	vld [tilespmem:s23+$0x5000];
	[tilespmem:s21+$0x5010] =	vst v3;
	v3 =	vsel vm0, v10, v6;
	v6 =	vsub.s32 v4, v0;
	v4 =	vand.u32 $0x7F, v4  }
0x42: {  	[tilespmem:s21+$0x5020] =	vst v7;
	vm0 =	vlt.u32 v6, $0x1400;
	v4 =	vor.u32 $0x1400, v4;
	v7 =	vsub.s32 v2, v0  }
0x43: {  	v2 =	vand.u32 $0x7F, v2;
	v9 =	vld [tilespmem:s23+$0x5010];
	[tilespmem:s21+$0x5030] =	vst v5;
	v4 =	vsel vm0, v6, v4;
	vm0 =	vlt.u32 v7, $0x1400  }
0x44: {  	v2 =	vor.u32 $0x1400, v2;
	[tilespmem:s21+$0x5040] =	vst v3;
	v3 =	vsub.s32 v11, v0;
	v5 =	vand.u32 $0x7F, v11  }
0x45: {  	v2 =	vsel vm0, v7, v2;
	v10 =	vld [tilespmem:s23+$0x5020];
	[tilespmem:s21+$0x5050] =	vst v4;
	vm0 =	vlt.u32 v3, $0x1400;
	v4 =	vor.u32 $0x1400, v5  }
0x46: {  	v5 =	vsub.s32 v8, v0;
	v11 =	vld [tilespmem:s23+$0x5030];
	[tilespmem:s21+$0x5060] =	vst v2;
	v2 =	vsel vm0, v3, v4  }
0x47: {  	v3 =	vand.u32 $0x7F, v8;
	vm0 =	vlt.u32 v5, $0x1400;
	[tilespmem:s21+$0x5070] =	vst v2;
	s21 =	smov.u32 s23  }
.Ltmp1:
0x48: {  	v2 =	vor.u32 $0x1400, v3;
	v3 =	vsub.s32 v9, v0;
	v4 =	vand.u32 $0x7F, v9;
	v6 =	vld [tilespmem:s21+$0x5040];
	(pc) =	sbr.rel @p0 .LBB2_4-.Ltmp1, $4  }
0x49: {  	v5 =	vsel vm0, v5, v2;
	vm0 =	vlt.u32 v3, $0x1400;
	v2 =	vor.u32 $0x1400, v4  }
0x4a: {  	v3 =	vsel vm0, v3, v2;
	v7 =	vsub.s32 v10, v0;
	v2 =	vand.u32 $0x7F, v10;
	v4 =	vld [tilespmem:s21+$0x5050]  }
0x4b: {  	vm0 =	vlt.u32 v7, $0x1400;
	v9 =	vor.u32 $0x1400, v2;
	v8 =	vsub.s32 v11, v0;
	v2 =	vld [tilespmem:s21+$0x5060]  }
0x4c: {  	s22 =	sadd.s32 $0x200, s22;
	v7 =	vsel vm0, v7, v9;
	vm0 =	vlt.u32 v8, $0x1400;
	v9 =	vand.u32 $0x7F, v11  }
0x4d: {  	v9 =	vor.u32 $0x1400, v9;
	v10 =	vsub.s32 v6, v0;
	v57 =	vand.u32 $0x7F, v6;
	v11 =	vld [tilespmem:s21+$0x5070]  }
0x4e: {  	[tilespmem:s21+$0x5000] =	vst v5;
	v58 =	vsel vm0, v8, v9;
	vm12 =	vlt.u32 v10, $0x1400;
	v6 =	vor.u32 $0x1400, v57  }
0x4f: {  	[tilespmem:s21+$0x5010] =	vst v3;
	v3 =	vsel vm12, v10, v6;
	v59 =	vsub.s32 v4, v0;
	v60 =	vand.u32 $0x7F, v4  }
0x50: {  	[tilespmem:s21+$0x5020] =	vst v7;
	vm13 =	vlt.u32 v59, $0x1400;
	v4 =	vor.u32 $0x1400, v60;
	v61 =	vsub.s32 v2, v0  }
0x51: {  	[tilespmem:s21+$0x5030] =	vst v58;
	v2 =	vand.u32 $0x7F, v2;
	v4 =	vsel vm13, v59, v4;
	vm14 =	vlt.u32 v61, $0x1400  }
0x52: {  	[tilespmem:s21+$0x5040] =	vst v3;
	v2 =	vor.u32 $0x1400, v2;
	v3 =	vsub.s32 v11, v0;
	v62 =	vand.u32 $0x7F, v11  }
0x53: {  	[tilespmem:s21+$0x5050] =	vst v4;
	v2 =	vsel vm14, v61, v2;
	vm15 =	vlt.u32 v3, $0x1400;
	v63 =	vor.u32 $0x1400, v62  }
0x54: {  	[tilespmem:s21+$0x5060] =	vst v2;
	v2 =	vsel vm15, v3, v63  }
0x55: {  	s28 =	simm.s32 $0x0;
	[tilespmem:s21+$0x5070] =	vst v2  }
0x56: {  	[tilespmem:s12], [sflag:$0x1] =	stream.indirect.gather [hbm4b:s1+s15], $0x80, s28, s15, $0xb8;
	[tilespmem:$0x1C400] =	vst v63  }
0x57: {  	s29 =	simm.s32 $0x80  }
0x58: {  	[tilespmem:s16], [sflag:$0x2] =	stream.indirect.gather [hbm4b:s1+s15], $0x80, s29, s15, $0xb8;
	[tilespmem:$0x1C400] =	vst v63  }
0x59: {  	_ =	swait.ge [sflag:s17], $0x4000  }
0x5a: {  	[sflag:s17] =	ssyncset.done $0x0  }
0x5b: {  	s30 =	simm.s32 $0x5000;
	[sflag:s17] =	ssyncadd.s32 $0xFFFFC000  }
0x5c: {  	[spmem:s3] =	stream.indirect.scatter.add.f32 [tilespmem:s12], [sflag:$0x3], $0x80, s30, s15, $0xb8;
	[tilespmem:$0x1C400] =	vst v63  }
0x5d: {  	_ =	swait.ge [sflag:s13], $0x4000  }
0x5e: {  	[sflag:s13] =	ssyncset.done $0x0  }
0x5f: {  	[sflag:s13] =	ssyncadd.s32 $0xFFFFC000  }
0x60: {  	_ =	swait.ge [sflag:s18], $0x4000  }
0x61: {  	[sflag:s18] =	ssyncset.done $0x0  }
0x62: {  	s31 =	simm.s32 $0x5080;
	[sflag:s18] =	ssyncadd.s32 $0xFFFFC000  }
0x63: {  	[spmem:s3] =	stream.indirect.scatter.add.f32 [tilespmem:s16], [sflag:$0x3], $0x80, s31, s15, $0xb8;
	[tilespmem:$0x1C400] =	vst v63  }
0x64: {  	_ =	swait.ge [sflag:s13], $0x4000  }
0x65: {  	s22 =	simm.s32 $0x800;
	s21 =	simm.s32 $0x400;
	[sflag:s13] =	ssyncset.done $0x0  }
.LBB2_6:
0x66: {  	s23 =	sshra.s32 s21, $0x2  }
0x67: {  	[sflag:s13] =	ssyncadd.s32 $0xFFFFC000;
	s21 =	smov.u32 s22;
	s24 =	sadd.s32 $0x400, s22  }
0x68: {  	[tilespmem:s12], [sflag:$0x1] =	stream.indirect.gather [hbm4b:s1+s15], $0x80, s23, s15, $0xb8;
	[tilespmem:$0x1C400] =	vst v63  }
0x69: {  	p0 =	sne.s32 s22, $0x13400;
	s22 =	sadd.s32 $0x80, s23  }
0x6a: {  	[tilespmem:s16], [sflag:$0x2] =	stream.indirect.gather [hbm4b:s1+s15], $0x80, s22, s15, $0xb8;
	[tilespmem:$0x1C400] =	vst v63  }
0x6b: {  	_ =	swait.ge [sflag:s17], $0x4000  }
0x6c: {  	[sflag:s17] =	ssyncset.done $0x0  }
0x6d: {  	s22 =	sadd.s32 $0x5000, s23;
	[sflag:s17] =	ssyncadd.s32 $0xFFFFC000  }
0x6e: {  	[spmem:s3] =	stream.indirect.scatter.add.f32 [tilespmem:s12], [sflag:$0x3], $0x80, s22, s15, $0xb8;
	[tilespmem:$0x1C400] =	vst v63  }
0x6f: {  	_ =	swait.ge [sflag:s13], $0x4000  }
0x70: {  	[sflag:s13] =	ssyncset.done $0x0  }
0x71: {  	[sflag:s13] =	ssyncadd.s32 $0xFFFFC000  }
0x72: {  	_ =	swait.ge [sflag:s18], $0x4000  }
.Ltmp2:
0x73: {  	[sflag:s18] =	ssyncset.done $0x0;
	(pc) =	sbr.rel @p0 .LBB2_6-.Ltmp2, $4  }
0x74: {  	s22 =	sadd.s32 $0x5080, s23;
	[sflag:s18] =	ssyncadd.s32 $0xFFFFC000  }
0x75: {  	[spmem:s3] =	stream.indirect.scatter.add.f32 [tilespmem:s16], [sflag:$0x3], $0x80, s22, s15, $0xb8;
	[tilespmem:$0x1C400] =	vst v63  }
0x76: {  	_ =	swait.ge [sflag:s13], $0x4000  }
0x77: {  	s22 =	smov.u32 s24;
	[sflag:s13] =	ssyncset.done $0x0  }
0x78: {  	s21 =	sshra.s32 s21, $0x2;
	[sflag:s13] =	ssyncadd.s32 $0xFFFFC000  }
0x79: {  	[tilespmem:s12], [sflag:$0x1] =	stream.indirect.gather [hbm4b:s1+s15], $0x80, s21, s15, $0xb8;
	[tilespmem:$0x1C400] =	vst v63  }
0x7a: {  	s22 =	sadd.s32 $0x80, s21  }
0x7b: {  	[tilespmem:s16], [sflag:$0x2] =	stream.indirect.gather [hbm4b:s1+s15], $0x80, s22, s15, $0xb8;
	[tilespmem:$0x1C400] =	vst v63  }
0x7c: {  	_ =	swait.ge [sflag:s17], $0x4000  }
0x7d: {  	[sflag:s17] =	ssyncset.done $0x0  }
0x7e: {  	s29 =	sadd.s32 $0x5000, s21;
	[sflag:s17] =	ssyncadd.s32 $0xFFFFC000  }
0x7f: {  	[spmem:s3] =	stream.indirect.scatter.add.f32 [tilespmem:s12], [sflag:$0x3], $0x80, s29, s15, $0xb8;
	[tilespmem:$0x1C400] =	vst v63  }
0x80: {  	_ =	swait.ge [sflag:s13], $0x4000  }
0x81: {  	[sflag:s13] =	ssyncset.done $0x0  }
0x82: {  	[sflag:s13] =	ssyncadd.s32 $0xFFFFC000  }
0x83: {  	_ =	swait.ge [sflag:s18], $0x4000  }
0x84: {  	[sflag:s18] =	ssyncset.done $0x0  }
0x85: {  	s21 =	sadd.s32 $0x5080, s21;
	[sflag:s18] =	ssyncadd.s32 $0xFFFFC000  }
0x86: {  	[spmem:s3] =	stream.indirect.scatter.add.f32 [tilespmem:s16], [sflag:$0x3], $0x80, s21, s15, $0xb8;
	[tilespmem:$0x1C400] =	vst v63  }
0x87: {  	_ =	swait.ge [sflag:s13], $0x4000  }
0x88: {  	[sflag:s13] =	ssyncset.done $0x0  }
0x89: {  	[sflag:s13] =	ssyncadd.s32 $0xFFFFC000  }
0x8a: {  	[tilespmem:s12], [sflag:$0x1] =	stream.indirect.gather [hbm4b:s1+s15], $0x80, s19, s15, $0xb8;
	[tilespmem:$0x1C400] =	vst v63  }
0x8b: {  	_ =	swait.ge [sflag:s17], $0x4000  }
0x8c: {  	[sflag:s17] =	ssyncset.done $0x0  }
0x8d: {  	[sflag:s17] =	ssyncadd.s32 $0xFFFFC000  }
0x8e: {  	[spmem:s3] =	stream.indirect.scatter.add.f32 [tilespmem:s12], [sflag:$0x3], $0x80, s20, s15, $0xb8;
	[tilespmem:$0x1C400] =	vst v63  }
0x8f: {  	_ =	swait.ge [sflag:s13], $0x4000  }
0x90: {  	s30 =	sshll.u32 s0, $0x6;
	s4 =	sadd.s32 $0x1, s4;
	[sflag:s13] =	ssyncset.done $0x0  }
0x91: {  	s31 =	sshrl.u32 s5, $0x3;
	p0 =	sne.s32 s4, s11;
	[sflag:s13] =	ssyncadd.s32 $0xFFFFC000  }
.Ltmp3:
0x92: {  	s21 =	sor.u32 $0x1C03, s30;
	[bflag:$0x0] =	sbarrier.arrive $0xFFFF;
	(pc) =	sbr.rel @p0 .LBB2_1-.Ltmp3, $4  }
0x93: {  	[hbm:s10], [sflag:s21] =	dma.local [spmem:s31], $0x1480  }
0x94: {  	_ =	swait.ge [sflag:s13], $0x1480  }
0x95: {  	[sflag:s13] =	ssyncset.done $0x0  }
0x96: {  	[sflag:s13] =	ssyncadd.s32 $0xFFFFEB80  }
0x97: {  	_ =	sfence.sel $0x180000  }
0x98: {  	[bflag:$0x0] =	sbarrier.arrive $0xFFFF  }
0x99: {  	p0 =	sne.s32 s0, $0x0;
	_ =	strace $0x9000004A  }
0x9a: {  	s0 =	sadd.s32 @!p0 $0x100000, s2;
	[bflag:$0x2] =	sbarrier.arrive $0xFFFF  }
0x9b: {  	[sflag:s0] =	ssyncadd.tile.s32 @!p0 $0x1;
	_ =	shalt  }
.Lfunc_end2:
_tile_overlayer_lowered:
.L_overlay_start_2:
0x9c: {  	(tag) =	ssettag $0x2  }
0x9d: {  	s0 =	rddreg [dreg:$0x0];
	s2 =	stileid.u32  }
0x9e: {  	s1 =	rddreg [dreg:$0x1];
	p0 =	sne.s32 s2, $0x0  }
0x9f: {  	s3 =	rddreg [dreg:$0x2];
	[bflag:$0x3] =	sbarrier.arrive $0xFFFF;
	s2 =	simm.s32 @!p0 $0x1C03  }
0xa0: {  	[timem:s3], [sflag:s2] =	dma.local @!p0 [hbm:s0], s1  }
0xa1: {  	s0 =	simm.s32 @!p0 $0x3  }
0xa2: {  	_ =	swait.ge @!p0 [sflag:s0], s1  }
0xa3: {  	s1 =	ssub.s32 @!p0 $0x0, s1;
	[sflag:s0] =	ssyncset.done @!p0 $0x0  }
0xa4: {  	[sflag:s0] =	ssyncadd.s32 @!p0 s1  }
0xa5: {  	[bflag:$0x3] =	sbarrier.arrive $0xFFFF  }
0xa6: {  	_ =	shalt  }

// kernel: kernel.8.cloned.1.call-start
scs
__scs_entry_jumppad:
0x0: {  	(pc) =	sbr.rel $0x88, $3  }
0x1: {  	(tag) =	ssettag $0x0;
	lr =	simm.s32 $0x1  }
0x2: {  	[smem:$0x3F99] =	sst lr;
	_ =	strace $0xD0000000  }
0x3: {  	_ = 	snop  }
0x4: {  	_ = 	snop  }
0x5: {  	_ = 	snop  }
0x6: {  	_ = 	snop  }
0x7: {  	_ = 	snop  }
__scs_overlays_trampoline_lowered:
0x8: {  	[smem:$0x3FA8] =	sst s0  }
0x9: {  	[smem:$0x3FA9] =	sst s1  }
0xa: {  	[smem:$0x3FAA] =	sst s2  }
0xb: {  	[smem:$0x3FAB] =	sst s3  }
0xc: {  	[smem:$0x3FAC] =	sst s4  }
0xd: {  	[smem:$0x3FAD] =	sst s5  }
0xe: {  	[smem:$0x3FAE] =	sst s6  }
0xf: {  	[smem:$0x3FAF] =	sst s7  }
0x10: {  	[smem:$0x3FB0] =	sst s8  }
0x11: {  	[smem:$0x3FB1] =	sst s9;
	s0 =	simm.s32 @!p0 $0x0  }
0x12: {  	s1 =	sld [smem:$0x3F97];
	s0 =	simm.s32 @p0 $0x1  }
0x13: {  	[smem:$0x3FB2] =	sst s0;
	s0 =	simm.s32 @!p1 $0x0  }
0x14: {  	s2 =	sld [smem:$0x3F96];
	s0 =	simm.s32 @p1 $0x1  }
0x15: {  	[smem:$0x3FB3] =	sst s0;
	s0 =	simm.s32 @!p2 $0x0  }
0x16: {  	s3 =	sld [smem:$0x3FDB];
	s0 =	simm.s32 @p2 $0x1  }
0x17: {  	s4 =	simm.s32 $0x1BF5;
	[smem:$0x3FB5] =	sst s0  }
0x18: {  	s0 =	sld [smem:$0x3F98];
	_ =	swait.ge [sflag:s4], $0x0  }
0x19: {  	s7 =	sld [smem:$0x3F99]  }
0x1a: {  	s8 =	sadd.s32 $0xFFFFE003, lr  }
0x1b: {  	s9 =	sadd.s32 $0xFFFFFEF7, lr;
	s5 =	simm.s32 $0xFFFFFFFF;
	p2 =	slt.u32 s8, $0xFFFFF086  }
0x1c: {  	p1 =	slt.u32 s9, $0xF7A;
	s5 =	simm.s32 @!p2 $0x0  }
0x1d: {  	s5 =	simm.s32 @p1 $0x1;
	p0 =	seq.s32 s7, s2  }
0x1e: {  	s7 =	smul.u32 @!p0 $0xF7A, s2;
	p2 =	seq.s32 @!p0 s5, $0x0  }
0x1f: {  	s9 =	smul.u32 $0xF7A, s1;
	s8 =	simm.s32 @!p0 $0x1BF5;
	p2 =	por !p2, p0  }
0x20: {  	[sflag:s8] =	ssyncset.s32 @!p0 $0xFFFFF086;
	s6 =	sadd.s32 @!p0 s3, s7;
	s7 =	simm.s32 @!p0 $0x108  }
0x21: {  	s3 =	sadd.s32 s3, s9;
	s6 =	sadd.s32 @!p0 $0x88, s6;
	s7 =	simm.s32 @p2 $0x1082  }
0x22: {  	[simem:s7], [sflag:s8] =	dma.local @!p0 [hbm:s6], $0xF7A  }
0x23: {  	s9 =	sor.u32 $0xD0000000, s2;
	s6 =	simm.s32 $0x108;
	_ =	swait.ge @!p0 [sflag:s8], $0x0  }
0x24: {  	s3 =	sadd.s32 $0x88, s3;
	s6 =	simm.s32 @!p1 $0x1082;
	[sflag:s4] =	ssyncset.s32 $0xFFFFF086  }
0x25: {  	[simem:s6], [sflag:s4] =	dma.local [hbm:s3], $0xF7A  }
0x26: {  	[smem:$0x3F99] =	sst s1;
	(tag) =	ssettag s2;
	_ =	strace s9  }
0x27: {  	s1 =	sld [smem:$0x3FA9]  }
0x28: {  	s2 =	sld [smem:$0x3FAA]  }
0x29: {  	s4 =	sld [smem:$0x3FAC]  }
0x2a: {  	p0 =	seq.s32 s5, $0x0;
	s5 =	sld [smem:$0x3FAD]  }
0x2b: {  	s6 =	sld [smem:$0x3FAE]  }
0x2c: {  	s7 =	sld [smem:$0x3FAF]  }
0x2d: {  	s3 =	simm.s32 $0x108;
	s8 =	sld [smem:$0x3FB0]  }
0x2e: {  	s3 =	simm.s32 @!p0 $0x1082;
	s9 =	sld [smem:$0x3FB1]  }
0x2f: {  	lr =	sadd.s32 s0, s3;
	s0 =	sld [smem:$0x3FA8]  }
0x30: {  	s3 =	sld [smem:$0x3FAB]  }
0x31: {  	[smem:$0x3FB4] =	sst s10  }
0x32: {  	s10 =	sld [smem:$0x3FB2];
	_ =	sdelay $0x3  }
0x33: {  	p0 =	seq.s32 s10, $0x1;
	s10 =	sld [smem:$0x3FB4];
	_ =	sdelay $0x3  }
0x34: {  	[smem:$0x3FB4] =	sst s10  }
0x35: {  	s10 =	sld [smem:$0x3FB3];
	_ =	sdelay $0x3  }
0x36: {  	p1 =	seq.s32 s10, $0x1;
	s10 =	sld [smem:$0x3FB4];
	_ =	sdelay $0x3  }
0x37: {  	[smem:$0x3FB4] =	sst s10  }
0x38: {  	s10 =	sld [smem:$0x3FB5]  }
0x39: {  	_ = 	snop;
	(pc) =	sbr.ind lr, $3  }
0x3a: {  	_ = 	snop  }
0x3b: {  	_ = 	snop  }
0x3c: {  	p2 =	seq.s32 s10, $0x1;
	s10 =	sld [smem:$0x3FB4]  }
0x3d: {  	_ =	shalt  }
0x3e: {  	_ =	shalt  }
0x3f: {  	_ =	shalt  }
0x40: {  	_ =	shalt  }
0x41: {  	_ =	shalt  }
0x42: {  	_ =	shalt  }
0x43: {  	_ =	shalt  }
0x44: {  	_ =	shalt  }
0x45: {  	_ =	shalt  }
0x46: {  	_ =	shalt  }
0x47: {  	_ =	shalt  }
0x48: {  	_ =	shalt  }
0x49: {  	_ =	shalt  }
0x4a: {  	_ =	shalt  }
0x4b: {  	_ =	shalt  }
0x4c: {  	_ =	shalt  }
0x4d: {  	_ =	shalt  }
0x4e: {  	_ =	shalt  }
0x4f: {  	_ =	shalt  }
0x50: {  	_ =	shalt  }
0x51: {  	_ =	shalt  }
0x52: {  	_ =	shalt  }
0x53: {  	_ =	shalt  }
0x54: {  	_ =	shalt  }
0x55: {  	_ =	shalt  }
0x56: {  	_ =	shalt  }
0x57: {  	_ =	shalt  }
0x58: {  	_ =	shalt  }
0x59: {  	_ =	shalt  }
0x5a: {  	_ =	shalt  }
0x5b: {  	_ =	shalt  }
0x5c: {  	_ =	shalt  }
0x5d: {  	_ =	shalt  }
0x5e: {  	_ =	shalt  }
0x5f: {  	_ =	shalt  }
0x60: {  	_ =	shalt  }
0x61: {  	_ =	shalt  }
0x62: {  	_ =	shalt  }
0x63: {  	_ =	shalt  }
0x64: {  	_ =	shalt  }
0x65: {  	_ =	shalt  }
0x66: {  	_ =	shalt  }
0x67: {  	_ =	shalt  }
0x68: {  	_ =	shalt  }
0x69: {  	_ =	shalt  }
0x6a: {  	_ =	shalt  }
0x6b: {  	_ =	shalt  }
0x6c: {  	_ =	shalt  }
0x6d: {  	_ =	shalt  }
0x6e: {  	_ =	shalt  }
0x6f: {  	_ =	shalt  }
0x70: {  	_ =	shalt  }
0x71: {  	_ =	shalt  }
0x72: {  	_ =	shalt  }
0x73: {  	_ =	shalt  }
0x74: {  	_ =	shalt  }
0x75: {  	_ =	shalt  }
0x76: {  	_ =	shalt  }
0x77: {  	_ =	shalt  }
0x78: {  	_ =	shalt  }
0x79: {  	_ =	shalt  }
0x7a: {  	_ =	shalt  }
0x7b: {  	_ =	shalt  }
0x7c: {  	_ =	shalt  }
0x7d: {  	_ =	shalt  }
0x7e: {  	_ =	shalt  }
0x7f: {  	_ =	shalt  }
0x80: {  	_ =	shalt  }
0x81: {  	_ =	shalt  }
0x82: {  	_ =	shalt  }
0x83: {  	_ =	shalt  }
0x84: {  	_ =	shalt  }
0x85: {  	_ =	shalt  }
0x86: {  	_ =	shalt  }
0x87: {  	_ =	shalt  }
.Lfunc_end0:
.L_simem_size_0:
called_computation_lowered:
.L_overlay_start_0:
0x88: {  	s2 =	sld [smem:$0x3FD9]  }
0x89: {  	s3 =	sld [smem:$0x3FFE];
	_ =	sdelay $0x1  }
0x8a: {  	s1 =	srdreg.scid  }
0x8b: {  	s0 =	sand.u32 $0x1, s1  }
0x8c: {  	s17 =	sshll.u32 s0, $0xA;
	s2 =	sadd.s32 s3, s2  }
0x8d: {  	s2 =	sadd.s32 s2, s17  }
0x8e: {  	[smem:$0x3FC0] =	sst s2  }
0x8f: {  	_ = 	snop  }
0x90: {  	s2 =	sld [smem:$0x3FD0];
	(tm) =	ssettm $0x1  }
0x91: {  	s18 =	sld [smem:$0x3FFB];
	_ =	sdelay $0x3  }
0x92: {  	_ =	strace s18  }
0x93: {  	s3 =	sld [smem:$0x3FFC];
	_ =	sdelay $0x3  }
0x94: {  	_ =	strace s3  }
0x95: {  	s3 =	sld [smem:$0x3FFD];
	_ =	sdelay $0x3  }
0x96: {  	_ =	strace s3  }
0x97: {  	_ =	strace $0x8FFFFFFF  }
0x98: {  	s19 =	sld [smem:$0x3FDB];
	_ =	sdelay $0x1  }
0x99: {  	s4 =	simm.s32 $_scs_section_size  }
0x9a: {  	s5 =	simm.s32 $_size__tile_overlayer_lowered;
	s6 =	simm.s32 $_tile_overlayer_lowered  }
0x9b: {  	s22 =	simm.s32 $0x1BFF;
	s21 =	sshll.u32 s6, $0x1;
	s3 =	sadd.s32 s4, s19  }
0x9c: {  	s7 =	simm.s32 $0x0;
	s20 =	sshll.u32 s5, $0x1;
	s5 =	sadd.s32 s21, s3  }
0x9d: {  	[timem:s7], [sflag:s22] =	dma.local [hbm:s5], s20  }
0x9e: {  	_ =	swait.ge [sflag:s22], s20  }
0x9f: {  	s4 =	ssub.s32 $0x0, s20;
	[sflag:s22] =	ssyncset.done $0x0  }
0xa0: {  	[sflag:s22] =	ssyncadd.s32 s4;
	_ =	sdelay $0x1  }
0xa1: {  	s23 =	simm.s32 $0x1B8B  }
0xa2: {  	_ =	swait.ge [sflag:s23], $0x1  }
0xa3: {  	[sflag:s23] =	ssyncset.done $0x0  }
0xa4: {  	s25 =	simm.s32 $0x1B8E;
	s24 =	sld [smem:$0x3FFE];
	[sflag:s23] =	ssyncadd.s32 $0xFFFFFFFF  }
0xa5: {  	s26 =	simm.s32 $execute0_lowered;
	[smem:$0x3FD2] =	sst s25  }
0xa6: {  	s5 =	sshll.u32 s26, $0x1;
	_ =	strace $0x80000046;
	[dreg:$0x1] =	wrdreg $0xFFFFFFFF  }
0xa7: {  	s28 =	simm.s32 $_size_execute0_lowered;
	s3 =	sadd.s32 s3, s5;
	[dreg:$0x0] =	wrdreg $0x0  }
0xa8: {  	s5 =	sshll.u32 s28, $0x1;
	[dreg:$0x2] =	wrdreg s3  }
0xa9: {  	[dreg:$0x3] =	wrdreg s5  }
0xaa: {  	[dreg:$0x4] =	wrdreg $0xC0  }
0xab: {  	_ =	task [dreg:s7], $0x5FFFF  }
0xac: {  	[dreg:$0x1] =	wrdreg $0xFFFFFFFF  }
0xad: {  	[dreg:$0x0] =	wrdreg $0x60  }
0xae: {  	[dreg:$0x2] =	wrdreg s2  }
0xaf: {  	[dreg:$0x3] =	wrdreg s24  }
0xb0: {  	[dreg:$0x4] =	wrdreg $0x134800  }
0xb1: {  	[dreg:$0x5] =	wrdreg $0x9  }
0xb2: {  	_ =	task.clear_ibuf [dreg:s7], $0x6FFFF;
	_ =	strace $0x90000046  }
0xb3: {  	s29 =	simm.s32 $0x9;
	_ =	strace $0x80000048  }
0xb4: {  	_ =	swait.ge [sflag:s29], $0x1  }
0xb5: {  	[sflag:s29] =	ssyncadd.s32 $0xFFFFFFFF  }
0xb6: {  	_ =	strace $0x90000048  }
0xb7: {  	_ =	sfence  }
0xb8: {  	s30 =	sld [smem:$0x0];
	_ =	sdelay $0x2  }
0xb9: {  	s31 =	sshll.u32 s1, $0xD;
	s1 =	sshrl.u32 s1, $0x2  }
0xba: {  	s3 =	sand.u32 $0x4000, s31;
	s1 =	sadd.s32 s1, s30  }
0xbb: {  	s0 =	sor.u32 s3, s0;
	s1 =	sshll.u32 s1, $0x11  }
0xbc: {  	s0 =	sor.u32 s1, s0  }
0xbd: {  	s0 =	sadd.s32 $0x8F2B, s0  }
0xbe: {  	[sflag:s0] =	ssyncadd.remote.s32 $0x1  }
0xbf: {  	_ =	sfence.sel $0xFFFF  }
0xc0: {  	[dreg:$0x0] =	wrdreg $0xFFFFFFFF;
	(pc) =	sbr.abs _section_cstart, $3  }
0xc1: {  	[dreg:$0x1] =	wrdreg $0xFFFFFFFF  }
0xc2: {  	_ =	task.clear_ibuf [dreg:s7], $0x2FFFF;
	_ =	strace $0x9FFFFFFF  }
0xc3: {  	(tm) =	ssettm $0x7FFFFFFF  }
tec
execute0_lowered:
.L_overlay_start_1:
0x0: {  	(tag) =	ssettag $0x1  }
0x1: {  	s1 =	rddreg [dreg:$0x0]  }
0x2: {  	s6 =	rddreg [dreg:$0x1];
	s0 =	stileid.u32  }
0x3: {  	s2 =	srdreg.scid;
	s3 =	rddreg [dreg:$0x2];
	s4 =	simm.s32 $0x0  }
0x4: {  	s16 =	simm.s32 $0x80;
	s17 =	simm.s32 $0xE000;
	s5 =	smul.u32 $0xA00, s0  }
0x5: {  	s18 =	simm.s32 $0x1;
	s19 =	simm.s32 $0x12000;
	s8 =	smul.u32 $0xA400, s0  }
0x6: {  	s10 =	sand.u32 $0x1, s2;
	s2 =	rddreg [dreg:$0x3];
	s24 =	smul.u32 $0x29000, s0  }
0x7: {  	s20 =	simm.s32 $0x2;
	[smem:$0x7FF] =	sst s4;
	s7 =	smul.u32 $0xA4000, s10  }
0x8: {  	s11 =	sshrl.u32 s0, $0x3;
	s23 =	sshll.u32 s0, $0x7;
	s9 =	smul.u32 $0x14800, s10  }
0x9: {  	_ =	strace $0x80000047;
	s22 =	smul.u32 $0xA400, s11;
	s26 =	sand.u32 $0x380, s23  }
0xa: {  	s28 =	ssub.s32 $0x2, s10;
	s23 =	simm.s32 $0x400;
	s12 =	sadd.s32 s5, s6  }
0xb: {  	s29 =	sshrl.u32 s24, $0x2;
	s31 =	sshrl.u32 s28, $0x1;
	s21 =	sadd.s32 s8, s7  }
0xc: {  	s25 =	sadd.s32 s9, s22;
	s15 =	ssub.s32 s28, s31;
	s8 =	sadd.s32 $0xBE00, s12  }
0xd: {  	s9 =	sadd.s32 $0x1E00, s12;
	s22 =	simm.s32 $0x9E00;
	s5 =	sshrl.u32 s21, $0x3  }
0xe: {  	s21 =	smul.u32 $0x1400, s10;
	s13 =	sadd.s32 s5, s6;
	s5 =	sor.u32 s26, s25  }
0xf: {  	s12 =	smax.u32 s15, $0x1;
	s15 =	simm.s32 $0x5000;
	s30 =	sshrl.u32 s5, $0x3  }
0x10: {  	s5 =	sadd.s32 s29, s3;
	s10 =	sadd.s32 $0x42200, s13;
	s13 =	simm.s32 $0xA000  }
0x11: {  	v0 =	vmov s21;
	s21 =	simm.s32 $0x4E00;
	s14 =	sadd.s32 s30, s6;
	s6 =	sadd.s32 $0x4000, s5  }
0x12: {  	v1 =	vimm.f32 $0.0e+00;
	v2 =	vimm.f32 $1.000000000e+00;
	s7 =	sadd.s32 $0x8000, s5;
	s11 =	sadd.s32 $0x3D000, s14;
	s14 =	simm.s32 $0x3  }
.LBB2_1:
0x13: {  	s24 =	simm.s32 $0x0;
	s25 =	simm.s32 $0x200  }
.LBB2_2:
0x14: {  	p0 =	sne.s32 s25, $0xFE00;
	[tilespmem:s24+$0xA070] =	vst v1  }
0x15: {  	[tilespmem:s24+$0xA000] =	vst v1  }
0x16: {  	[tilespmem:s24+$0xA010] =	vst v1  }
.Ltmp0:
0x17: {  	[tilespmem:s24+$0xA020] =	vst v1;
	(pc) =	sbr.rel @p0 .LBB2_2-.Ltmp0, $4  }
0x18: {  	[tilespmem:s24+$0xA030] =	vst v1  }
0x19: {  	[tilespmem:s24+$0xA040] =	vst v1  }
0x1a: {  	[tilespmem:s24+$0xA050] =	vst v1  }
0x1b: {  	[tilespmem:s24+$0xA060] =	vst v1;
	s24 =	sshra.s32 s25, $0x2;
	s25 =	sadd.s32 $0x200, s25  }
0x1c: {  	[tilespmem:s24+$0xA070] =	vst v1  }
0x1d: {  	[tilespmem:s24+$0xA000] =	vst v1  }
0x1e: {  	[tilespmem:s24+$0xA010] =	vst v1  }
0x1f: {  	[tilespmem:s24+$0xA020] =	vst v1  }
0x20: {  	[tilespmem:s24+$0xA030] =	vst v1  }
0x21: {  	[tilespmem:s24+$0xA040] =	vst v1  }
0x22: {  	[tilespmem:s24+$0xA050] =	vst v1  }
0x23: {  	[tilespmem:s24+$0xA060] =	vst v1;
	s24 =	simm.s32 $0x40;
	s25 =	simm.s32 $0x0  }
.LBB2_4:
0x24: {  	p0 =	sne.s32 s24, $0x51C0;
	[tilespmem:s25+$0x12000] =	vst v1;
	s25 =	smov.u32 s24;
	s24 =	sadd.s32 $0x40, s24  }
.Ltmp1:
0x25: {  	(pc) =	sbr.rel @p0 .LBB2_4-.Ltmp1, $2  }
0x26: {  	_ =	sdelay $0x2  }
0x27: {  	s25 =	sshra.s32 s25, $0x2  }
0x28: {  	[tilespmem:s25+$0x12000] =	vst v1  }
0x29: {  	[spmem:s5] =	stream.linear.scatter [tilespmem:s13], [sflag:$0x3], $0x4000, $0x38;
	[tilespmem:$0x1D880] =	vst v63  }
0x2a: {  	_ =	swait.ge [sflag:s14], $0x4000  }
0x2b: {  	[sflag:s14] =	ssyncset.done $0x0  }
0x2c: {  	[sflag:s14] =	ssyncadd.s32 $0xFFFFC000  }
0x2d: {  	[spmem:s6] =	stream.linear.scatter [tilespmem:s13], [sflag:$0x3], $0x4000, $0x38;
	[tilespmem:$0x1D880] =	vst v63  }
0x2e: {  	_ =	swait.ge [sflag:s14], $0x4000  }
0x2f: {  	[sflag:s14] =	ssyncset.done $0x0  }
0x30: {  	[sflag:s14] =	ssyncadd.s32 $0xFFFFC000  }
0x31: {  	[spmem:s7] =	stream.linear.scatter [tilespmem:s13], [sflag:$0x3], $0x2400, $0x38;
	[tilespmem:$0x1D880] =	vst v63  }
0x32: {  	_ =	swait.ge [sflag:s14], $0x2400  }
0x33: {  	[sflag:s14] =	ssyncset.done $0x0  }
0x34: {  	[sflag:s14] =	ssyncadd.s32 $0xFFFFDC00  }
0x35: {  	s24 =	simm.s32 $0x0;
	[bflag:$0x0] =	sbarrier.arrive $0xFFFF  }
0x36: {  	[tilespmem:s24], [sflag:$0x3] =	stream.linear.gather [hbm4b:s8+s24], $0x4E80, $0x38;
	[tilespmem:$0x1D880] =	vst v63  }
0x37: {  	_ =	swait.ge [sflag:s14], $0x4E80  }
0x38: {  	[sflag:s14] =	ssyncset.done $0x0  }
0x39: {  	[sflag:s14] =	ssyncadd.s32 $0xFFFFB180  }
0x3a: {  	[tilespmem:s15], [sflag:$0x3] =	stream.linear.gather [hbm4b:s9+s24], $0x4E80, $0x38;
	[tilespmem:$0x1D880] =	vst v63  }
0x3b: {  	_ =	swait.ge [sflag:s14], $0x4E80  }
0x3c: {  	[sflag:s14] =	ssyncset.done $0x0  }
0x3d: {  	s25 =	simm.s32 $0x0;
	[sflag:s14] =	ssyncadd.s32 $0xFFFFB180  }
0x3e: {  	v3 =	vld [tilespmem:s25+$0x5000]  }
0x3f: {  	v4 =	vld [tilespmem:s25+$0x5010];
	_ =	sdelay $0x2  }
0x40: {  	v5 =	vld [tilespmem:s25+$0x5020]  }
0x41: {  	v10 =	vld [tilespmem:s25+$0x5030]  }
0x42: {  	v6 =	vsub.s32 v3, v0;
	v3 =	vand.u32 $0x7F, v3;
	v8 =	vsub.s32 v4, v0  }
0x43: {  	v7 =	vld [tilespmem:s25+$0x5040];
	v4 =	vand.u32 $0x7F, v4;
	vm0 =	vlt.u32 v6, $0x1400;
	v3 =	vor.u32 $0x1400, v3  }
0x44: {  	v6 =	vsel vm0, v6, v3;
	vm0 =	vlt.u32 v8, $0x1400;
	v3 =	vor.u32 $0x1400, v4  }
0x45: {  	v4 =	vsel vm0, v8, v3;
	v8 =	vsub.s32 v5, v0;
	v3 =	vand.u32 $0x7F, v5;
	v5 =	vld [tilespmem:s25+$0x5050]  }
0x46: {  	v9 =	vsub.s32 v10, v0;
	vm0 =	vlt.u32 v8, $0x1400;
	v11 =	vor.u32 $0x1400, v3;
	v3 =	vld [tilespmem:s25+$0x5060]  }
0x47: {  	s26 =	simm.s32 $0x200;
	v10 =	vand.u32 $0x7F, v10;
	v8 =	vsel vm0, v8, v11;
	vm0 =	vlt.u32 v9, $0x1400  }
.LBB2_6:
0x48: {  	p0 =	sne.s32 s26, $0x13800;
	v10 =	vor.u32 $0x1400, v10;
	v11 =	vsub.s32 v7, v0;
	v7 =	vand.u32 $0x7F, v7;
	v12 =	vld [tilespmem:s25+$0x5070]  }
0x49: {  	s28 =	sshra.s32 s26, $0x2;
	[tilespmem:s25+$0x5000] =	vst v6;
	v6 =	vsel vm0, v9, v10;
	vm0 =	vlt.u32 v11, $0x1400;
	v7 =	vor.u32 $0x1400, v7  }
0x4a: {  	v9 =	vld [tilespmem:s28+$0x5000];
	[tilespmem:s25+$0x5010] =	vst v4;
	v4 =	vsel vm0, v11, v7;
	v7 =	vsub.s32 v5, v0;
	v5 =	vand.u32 $0x7F, v5  }
0x4b: {  	[tilespmem:s25+$0x5020] =	vst v8;
	vm0 =	vlt.u32 v7, $0x1400;
	v5 =	vor.u32 $0x1400, v5;
	v8 =	vsub.s32 v3, v0  }
0x4c: {  	v3 =	vand.u32 $0x7F, v3;
	v10 =	vld [tilespmem:s28+$0x5010];
	[tilespmem:s25+$0x5030] =	vst v6;
	v5 =	vsel vm0, v7, v5;
	vm0 =	vlt.u32 v8, $0x1400  }
0x4d: {  	v3 =	vor.u32 $0x1400, v3;
	[tilespmem:s25+$0x5040] =	vst v4;
	v4 =	vsub.s32 v12, v0;
	v6 =	vand.u32 $0x7F, v12  }
0x4e: {  	v3 =	vsel vm0, v8, v3;
	v11 =	vld [tilespmem:s28+$0x5020];
	[tilespmem:s25+$0x5050] =	vst v5;
	vm0 =	vlt.u32 v4, $0x1400;
	v5 =	vor.u32 $0x1400, v6  }
0x4f: {  	v6 =	vsub.s32 v9, v0;
	v12 =	vld [tilespmem:s28+$0x5030];
	[tilespmem:s25+$0x5060] =	vst v3;
	v3 =	vsel vm0, v4, v5  }
0x50: {  	v4 =	vand.u32 $0x7F, v9;
	vm0 =	vlt.u32 v6, $0x1400;
	[tilespmem:s25+$0x5070] =	vst v3;
	s25 =	smov.u32 s28  }
.Ltmp2:
0x51: {  	v3 =	vor.u32 $0x1400, v4;
	v4 =	vsub.s32 v10, v0;
	v5 =	vand.u32 $0x7F, v10;
	v7 =	vld [tilespmem:s25+$0x5040];
	(pc) =	sbr.rel @p0 .LBB2_6-.Ltmp2, $4  }
0x52: {  	v6 =	vsel vm0, v6, v3;
	vm0 =	vlt.u32 v4, $0x1400;
	v3 =	vor.u32 $0x1400, v5  }
0x53: {  	v4 =	vsel vm0, v4, v3;
	v8 =	vsub.s32 v11, v0;
	v3 =	vand.u32 $0x7F, v11;
	v5 =	vld [tilespmem:s25+$0x5050]  }
0x54: {  	vm0 =	vlt.u32 v8, $0x1400;
	v10 =	vor.u32 $0x1400, v3;
	v9 =	vsub.s32 v12, v0;
	v3 =	vld [tilespmem:s25+$0x5060]  }
0x55: {  	s26 =	sadd.s32 $0x200, s26;
	v8 =	vsel vm0, v8, v10;
	vm0 =	vlt.u32 v9, $0x1400;
	v10 =	vand.u32 $0x7F, v12  }
0x56: {  	v10 =	vor.u32 $0x1400, v10;
	v11 =	vsub.s32 v7, v0;
	v55 =	vand.u32 $0x7F, v7;
	v12 =	vld [tilespmem:s25+$0x5070]  }
0x57: {  	[tilespmem:s25+$0x5000] =	vst v6;
	v56 =	vsel vm0, v9, v10;
	vm12 =	vlt.u32 v11, $0x1400;
	v7 =	vor.u32 $0x1400, v55  }
0x58: {  	[tilespmem:s25+$0x5010] =	vst v4;
	v57 =	vsel vm12, v11, v7;
	v58 =	vsub.s32 v5, v0;
	v59 =	vand.u32 $0x7F, v5  }
0x59: {  	[tilespmem:s25+$0x5020] =	vst v8;
	vm13 =	vlt.u32 v58, $0x1400;
	v5 =	vor.u32 $0x1400, v59;
	v60 =	vsub.s32 v3, v0  }
0x5a: {  	[tilespmem:s25+$0x5030] =	vst v56;
	v3 =	vand.u32 $0x7F, v3;
	v5 =	vsel vm13, v58, v5;
	vm14 =	vlt.u32 v60, $0x1400  }
0x5b: {  	[tilespmem:s25+$0x5040] =	vst v57;
	v3 =	vor.u32 $0x1400, v3;
	v61 =	vsub.s32 v12, v0;
	v62 =	vand.u32 $0x7F, v12  }
0x5c: {  	[tilespmem:s25+$0x5050] =	vst v5;
	v3 =	vsel vm14, v60, v3;
	vm15 =	vlt.u32 v61, $0x1400;
	v63 =	vor.u32 $0x1400, v62  }
0x5d: {  	[tilespmem:s25+$0x5060] =	vst v3;
	v3 =	vsel vm15, v61, v63  }
0x5e: {  	[tilespmem:s25+$0x5070] =	vst v3  }
.LBB2_8:
0x5f: {  	s25 =	sshra.s32 s24, $0x2  }
0x60: {  	[tilespmem:s13], [sflag:$0x1] =	stream.indirect.gather [hbm4b:s1+s16], $0x80, s25, s16, $0xb8;
	[tilespmem:$0x1D880] =	vst v63  }
0x61: {  	s26 =	sadd.s32 $0x80, s25  }
0x62: {  	[tilespmem:s17], [sflag:$0x2] =	stream.indirect.gather [hbm4b:s1+s16], $0x80, s26, s16, $0xb8;
	[tilespmem:$0x1D880] =	vst v63  }
0x63: {  	_ =	swait.ge [sflag:s18], $0x4000  }
0x64: {  	[sflag:s18] =	ssyncset.done $0x0  }
0x65: {  	s30 =	sadd.s32 $0x5000, s25;
	[sflag:s18] =	ssyncadd.s32 $0xFFFFC000  }
0x66: {  	[spmem:s3] =	stream.indirect.scatter.add.f32 [tilespmem:s13], [sflag:$0x3], $0x80, s30, s16, $0xb8;
	[tilespmem:$0x1D880] =	vst v63  }
0x67: {  	_ =	swait.ge [sflag:s14], $0x4000  }
0x68: {  	[sflag:s14] =	ssyncset.done $0x0  }
0x69: {  	[sflag:s14] =	ssyncadd.s32 $0xFFFFC000  }
0x6a: {  	v3 =	vld [tilespmem:s25+$0x5000];
	_ =	sdelay $0x7  }
0x6b: {  	[tilespmem:v3+s19+$0x0] =	vst.idx.add.f32.msk $0xffff, v2  }
0x6c: {  	v3 =	vld [tilespmem:s25+$0x5010];
	_ =	sdelay $0x7  }
0x6d: {  	[tilespmem:v3+s19+$0x0] =	vst.idx.add.f32.msk $0xffff, v2  }
0x6e: {  	v3 =	vld [tilespmem:s25+$0x5020];
	_ =	sdelay $0x7  }
0x6f: {  	[tilespmem:v3+s19+$0x0] =	vst.idx.add.f32.msk $0xffff, v2  }
0x70: {  	v3 =	vld [tilespmem:s25+$0x5030];
	_ =	sdelay $0x7  }
0x71: {  	[tilespmem:v3+s19+$0x0] =	vst.idx.add.f32.msk $0xffff, v2  }
0x72: {  	v3 =	vld [tilespmem:s25+$0x5040];
	_ =	sdelay $0x7  }
0x73: {  	[tilespmem:v3+s19+$0x0] =	vst.idx.add.f32.msk $0xffff, v2  }
0x74: {  	v3 =	vld [tilespmem:s25+$0x5050];
	_ =	sdelay $0x7  }
0x75: {  	[tilespmem:v3+s19+$0x0] =	vst.idx.add.f32.msk $0xffff, v2  }
0x76: {  	v3 =	vld [tilespmem:s25+$0x5060];
	_ =	sdelay $0x7  }
0x77: {  	[tilespmem:v3+s19+$0x0] =	vst.idx.add.f32.msk $0xffff, v2  }
0x78: {  	v3 =	vld [tilespmem:s25+$0x5070];
	_ =	sdelay $0x7  }
0x79: {  	[tilespmem:v3+s19+$0x0] =	vst.idx.add.f32.msk $0xffff, v2  }
0x7a: {  	_ =	swait.ge [sflag:s20], $0x4000  }
0x7b: {  	[sflag:s20] =	ssyncset.done $0x0  }
0x7c: {  	s31 =	sadd.s32 $0x5080, s25;
	[sflag:s20] =	ssyncadd.s32 $0xFFFFC000  }
0x7d: {  	[spmem:s3] =	stream.indirect.scatter.add.f32 [tilespmem:s17], [sflag:$0x3], $0x80, s31, s16, $0xb8;
	[tilespmem:$0x1D880] =	vst v63  }
0x7e: {  	_ =	swait.ge [sflag:s14], $0x4000  }
0x7f: {  	[sflag:s14] =	ssyncset.done $0x0  }
0x80: {  	[sflag:s14] =	ssyncadd.s32 $0xFFFFC000  }
0x81: {  	v3 =	vld [tilespmem:s25+$0x5080];
	_ =	sdelay $0x7  }
0x82: {  	[tilespmem:v3+s19+$0x0] =	vst.idx.add.f32.msk $0xffff, v2  }
0x83: {  	v3 =	vld [tilespmem:s25+$0x5090];
	_ =	sdelay $0x7  }
0x84: {  	[tilespmem:v3+s19+$0x0] =	vst.idx.add.f32.msk $0xffff, v2  }
0x85: {  	v3 =	vld [tilespmem:s25+$0x50A0];
	_ =	sdelay $0x7  }
0x86: {  	[tilespmem:v3+s19+$0x0] =	vst.idx.add.f32.msk $0xffff, v2  }
0x87: {  	v3 =	vld [tilespmem:s25+$0x50B0];
	_ =	sdelay $0x7  }
0x88: {  	[tilespmem:v3+s19+$0x0] =	vst.idx.add.f32.msk $0xffff, v2  }
0x89: {  	v3 =	vld [tilespmem:s25+$0x50C0];
	_ =	sdelay $0x7  }
0x8a: {  	[tilespmem:v3+s19+$0x0] =	vst.idx.add.f32.msk $0xffff, v2  }
0x8b: {  	v3 =	vld [tilespmem:s25+$0x50D0];
	_ =	sdelay $0x7  }
0x8c: {  	[tilespmem:v3+s19+$0x0] =	vst.idx.add.f32.msk $0xffff, v2  }
0x8d: {  	v3 =	vld [tilespmem:s25+$0x50E0];
	_ =	sdelay $0x7  }
0x8e: {  	[tilespmem:v3+s19+$0x0] =	vst.idx.add.f32.msk $0xffff, v2  }
0x8f: {  	v3 =	vld [tilespmem:s25+$0x50F0];
	_ =	sdelay $0x2  }
0x90: {  	p0 =	sne.s32 s24, $0x13400  }
.Ltmp3:
0x91: {  	_ = 	snop;
	(pc) =	sbr.rel @p0 .LBB2_8-.Ltmp3, $2  }
0x92: {  	_ =	sdelay $0x2  }
0x93: {  	s24 =	sadd.s32 $0x400, s24;
	[tilespmem:v3+s19+$0x0] =	vst.idx.add.f32.msk $0xffff, v2  }
0x94: {  	[tilespmem:s13], [sflag:$0x1] =	stream.indirect.gather [hbm4b:s1+s16], $0x80, s21, s16, $0xb8;
	[tilespmem:$0x1D880] =	vst v63  }
0x95: {  	_ =	swait.ge [sflag:s18], $0x4000  }
0x96: {  	[sflag:s18] =	ssyncset.done $0x0  }
0x97: {  	[sflag:s18] =	ssyncadd.s32 $0xFFFFC000  }
0x98: {  	[spmem:s3] =	stream.indirect.scatter.add.f32 [tilespmem:s13], [sflag:$0x3], $0x80, s22, s16, $0xb8;
	[tilespmem:$0x1D880] =	vst v63  }
0x99: {  	_ =	swait.ge [sflag:s14], $0x4000  }
0x9a: {  	[sflag:s14] =	ssyncset.done $0x0  }
0x9b: {  	[sflag:s14] =	ssyncadd.s32 $0xFFFFC000  }
0x9c: {  	v3 =	vld [tilespmem:$0x9E00];
	_ =	sdelay $0x7  }
0x9d: {  	[tilespmem:v3+s19+$0x0] =	vst.idx.add.f32.msk $0xffff, v2  }
0x9e: {  	v3 =	vld [tilespmem:$0x9E10];
	_ =	sdelay $0x7  }
0x9f: {  	[tilespmem:v3+s19+$0x0] =	vst.idx.add.f32.msk $0xffff, v2  }
0xa0: {  	v3 =	vld [tilespmem:$0x9E20];
	_ =	sdelay $0x7  }
0xa1: {  	[tilespmem:v3+s19+$0x0] =	vst.idx.add.f32.msk $0xffff, v2  }
0xa2: {  	v3 =	vld [tilespmem:$0x9E30];
	_ =	sdelay $0x7  }
0xa3: {  	[tilespmem:v3+s19+$0x0] =	vst.idx.add.f32.msk $0xffff, v2  }
0xa4: {  	v3 =	vld [tilespmem:$0x9E40];
	_ =	sdelay $0x7  }
0xa5: {  	[tilespmem:v3+s19+$0x0] =	vst.idx.add.f32.msk $0xffff, v2  }
0xa6: {  	v3 =	vld [tilespmem:$0x9E50];
	_ =	sdelay $0x7  }
0xa7: {  	[tilespmem:v3+s19+$0x0] =	vst.idx.add.f32.msk $0xffff, v2  }
0xa8: {  	v3 =	vld [tilespmem:$0x9E60];
	_ =	sdelay $0x7  }
0xa9: {  	[tilespmem:v3+s19+$0x0] =	vst.idx.add.f32.msk $0xffff, v2  }
0xaa: {  	v3 =	vld [tilespmem:$0x9E70];
	_ =	sdelay $0x7  }
0xab: {  	s24 =	sshll.u32 s0, $0x6;
	[tilespmem:v3+s19+$0x0] =	vst.idx.add.f32.msk $0xffff, v2  }
0xac: {  	s25 =	sshrl.u32 s5, $0x3;
	s24 =	sor.u32 $0x1C03, s24;
	[bflag:$0x0] =	sbarrier.arrive $0xFFFF  }
0xad: {  	[hbm:s10], [sflag:s24] =	dma.local [spmem:s25], $0x1480  }
0xae: {  	s4 =	sadd.s32 $0x1, s4;
	_ =	swait.ge [sflag:s14], $0x1480  }
0xaf: {  	p0 =	sne.s32 s4, s12;
	[sflag:s14] =	ssyncset.done $0x0  }
.Ltmp4:
0xb0: {  	[sflag:s14] =	ssyncadd.s32 $0xFFFFEB80;
	(pc) =	sbr.rel @p0 .LBB2_1-.Ltmp4, $4  }
0xb1: {  	[hbm4b:s11+s16] =	stream.strided.scatter [tilespmem:s19], [sflag:$0x3], $0x1480, s23, s16, $0x38;
	[tilespmem:$0x1D880] =	vst v63  }
0xb2: {  	_ =	swait.ge [sflag:s14], $0x1480  }
0xb3: {  	[sflag:s14] =	ssyncset.done $0x0  }
0xb4: {  	[sflag:s14] =	ssyncadd.s32 $0xFFFFEB80  }
0xb5: {  	_ =	sfence.sel $0x180000  }
0xb6: {  	[bflag:$0x0] =	sbarrier.arrive $0xFFFF  }
0xb7: {  	p0 =	sne.s32 s0, $0x0;
	_ =	strace $0x90000047  }
0xb8: {  	s0 =	sadd.s32 @!p0 $0x100000, s2;
	[bflag:$0x2] =	sbarrier.arrive $0xFFFF  }
0xb9: {  	[sflag:s0] =	ssyncadd.tile.s32 @!p0 $0x1;
	_ =	shalt  }
.Lfunc_end2:
_tile_overlayer_lowered:
.L_overlay_start_2:
0xba: {  	(tag) =	ssettag $0x2  }
0xbb: {  	s0 =	rddreg [dreg:$0x0];
	s2 =	stileid.u32  }
0xbc: {  	s1 =	rddreg [dreg:$0x1];
	p0 =	sne.s32 s2, $0x0  }
0xbd: {  	s3 =	rddreg [dreg:$0x2];
	[bflag:$0x3] =	sbarrier.arrive $0xFFFF;
	s2 =	simm.s32 @!p0 $0x1C03  }
0xbe: {  	[timem:s3], [sflag:s2] =	dma.local @!p0 [hbm:s0], s1  }
0xbf: {  	s0 =	simm.s32 @!p0 $0x3  }
0xc0: {  	_ =	swait.ge @!p0 [sflag:s0], s1  }
0xc1: {  	s1 =	ssub.s32 @!p0 $0x0, s1;
	[sflag:s0] =	ssyncset.done @!p0 $0x0  }
0xc2: {  	[sflag:s0] =	ssyncadd.s32 @!p0 s1  }
0xc3: {  	[bflag:$0x3] =	sbarrier.arrive $0xFFFF  }
0xc4: {  	_ =	shalt  }

</sc_bundles>
